<compile_context>
chip_gen: v7x
topology: tpu7x:2x2x1
jax: 0.10.2.dev20260603
libtpu: 0.0.44.dev20260713+nightly
codegen_flags: <defaults>
</compile_context>

<pallas_src>
import functools

import jax
import jax.numpy as jnp
from jax import lax
from jax.experimental import pallas as pl
from jax.experimental.pallas import tpu as pltpu
from jax.experimental.pallas import tpu_sc as plsc

N, E, D, H = 10000, 160000, 256, 512
QD = 64
NQ = 4
NC = 2
NT = 16
EP = 163840
EPT = EP // NT
KB = 256
M = EPT // KB
NP = 10240
RPT = NP // NT
DUMP = 10100
REP = 256



def _sc_aggregate(xq4, gidx4, ddst, oidx, eyeb, za, zc):
    mesh = plsc.VectorSubcoreMesh(core_axis_name="c", subcore_axis_name="s")

    @functools.partial(
        pl.kernel,
        mesh=mesh,
        compiler_params=pltpu.CompilerParams(use_tc_tiling_on_sc=False),
        out_type=[
            jax.ShapeDtypeStruct((NQ, NP, QD), jnp.bfloat16),
            jax.ShapeDtypeStruct((NC, NP, 16), jnp.float32),
        ],
        scratch_types=[
            pltpu.VMEM((M, KB), jnp.int32),
            pltpu.VMEM((M, KB), jnp.int32),
            pltpu.VMEM((KB, QD), jnp.bfloat16),
            pltpu.VMEM((KB, QD), jnp.bfloat16),
            pltpu.VMEM((KB, QD), jnp.bfloat16),
            pltpu.VMEM((KB, QD), jnp.bfloat16),
            pltpu.VMEM((KB, 16), jnp.float32),
            pltpu.VMEM((KB, 16), jnp.float32),
            pltpu.VMEM((KB, 16), jnp.float32),
            pltpu.VMEM((KB, 16), jnp.float32),
            pltpu.VMEM_SHARED((NP, QD), jnp.bfloat16),
            pltpu.VMEM_SHARED((NP, 16), jnp.float32),
            pltpu.SemaphoreType.DMA,
            pltpu.SemaphoreType.DMA,
            pltpu.SemaphoreType.DMA,
            pltpu.SemaphoreType.DMA,
            pltpu.SemaphoreType.DMA,
            pltpu.SemaphoreType.DMA,
            pltpu.SemaphoreType.DMA,
            pltpu.SemaphoreType.DMA,
        ],
    )
    def k(xq_h, gidx_h, ddst_h, oidx_h, eyeb_h, za_h, zc_h,
          aggr_o, cnt_o, gidx_v, ddst_v, buf0, buf1, buf2, buf3,
          cb0, cb1, cb2, cb3, aggr_s, cnt_s,
          g0, g1, g2, g3, s0, s1, s2, s3):
        c = lax.axis_index("c")
        s = lax.axis_index("s")
        xbufs = (buf0, buf1, buf2, buf3)
        cbufs = (cb0, cb1, cb2, cb3)
        gsems = (g0, g1, g2, g3)
        ssems = (s0, s1, s2, s3)

        def stream_phase(src_h, idx_of, count, bufs, tgt_s):
            pltpu.async_copy(src_h.at[gidx_v.at[idx_of(0)]], bufs[0],
                             gsems[0])
            pltpu.async_copy(src_h.at[gidx_v.at[idx_of(1)]], bufs[1],
                             gsems[1])

            def body(i0, carry):
                for b4 in range(4):
                    i = i0 + b4
                    slot = b4 & 3
                    nslot = (b4 + 2) & 3

                    @pl.when(i >= 2)
                    def _drain():
                        pltpu.make_async_copy(
                            bufs[nslot],
                            tgt_s.at[ddst_v.at[idx_of(i - 2)]],
                            ssems[nslot]).wait()

                    @pl.when(i + 2 < count)
                    def _prefetch():
                        pltpu.async_copy(
                            src_h.at[gidx_v.at[idx_of(i + 2)]], bufs[nslot],
                            gsems[nslot])

                    pltpu.make_async_copy(
                        src_h.at[gidx_v.at[idx_of(i)]], bufs[slot],
                        gsems[slot]).wait()
                    pltpu.async_copy(bufs[slot],
                                     tgt_s.at[ddst_v.at[idx_of(i)]],
                                     ssems[slot], add=True)
                return carry

            lax.fori_loop(0, count // 4, lambda i, cy: body(i * 4, cy), 0)
            for i in (count - 2, count - 1):
                pltpu.make_async_copy(
                    bufs[i % 4], tgt_s.at[ddst_v.at[idx_of(i)]],
                    ssems[i % 4]).wait()

        for q in range(2):
            qi = 2 * q + c
            pltpu.sync_copy(gidx_h.at[qi, s], gidx_v)
            pltpu.sync_copy(ddst_h.at[s], ddst_v)
            pltpu.sync_copy(za_h, aggr_s.at[pl.ds(s * RPT, RPT)])
            plsc.subcore_barrier()
            stream_phase(xq_h, lambda i: i, M, xbufs, aggr_s)
            plsc.subcore_barrier()
            pltpu.sync_copy(aggr_s.at[pl.ds(s * RPT, RPT)],
                            aggr_o.at[qi, pl.ds(s * RPT, RPT)])
            plsc.subcore_barrier()

        pltpu.sync_copy(oidx_h.at[s], gidx_v)
        pltpu.sync_copy(zc_h, cnt_s.at[pl.ds(s * RPT, RPT)])
        plsc.subcore_barrier()
        stream_phase(eyeb_h, lambda i: 2 * i + c, M // 2, cbufs, cnt_s)
        plsc.subcore_barrier()
        pltpu.sync_copy(cnt_s.at[pl.ds(s * RPT, RPT)],
                        cnt_o.at[c, pl.ds(s * RPT, RPT)])

    return k(xq4, gidx4, ddst, oidx, eyeb, za, zc)


def _tc_mlp(aggr4, cnt2, x, cconst, embC16, W1, b1, W2, b2):
    R = 400
    G = N // R

    def body(a4_ref, cnt_ref, x_ref, cc_ref, emb_ref, w1_ref, b1_ref,
             w2_ref, b2_ref, o_ref):
        a = jnp.concatenate(
            [a4_ref[0], a4_ref[1], a4_ref[2], a4_ref[3]],
            axis=1).astype(jnp.float32)
        a = a + x_ref[...] + cc_ref[...]
        cnt = cnt_ref[0] + cnt_ref[1]
        a = a + jnp.dot(cnt, emb_ref[...], preferred_element_type=jnp.float32)
        h1 = jnp.dot(a, w1_ref[...], preferred_element_type=jnp.float32)
        h1 = jnp.maximum(h1 + b1_ref[...], 0.0)
        o_ref[...] = jnp.dot(h1, w2_ref[...],
                             preferred_element_type=jnp.float32) + b2_ref[...]

    return pl.pallas_call(
        body,
        grid=(G,),
        in_specs=[
            pl.BlockSpec((NQ, R, QD), lambda i: (0, i, 0)),
            pl.BlockSpec((NC, R, 16), lambda i: (0, i, 0)),
            pl.BlockSpec((R, D), lambda i: (i, 0)),
            pl.BlockSpec((1, D), lambda i: (0, 0)),
            pl.BlockSpec((16, D), lambda i: (0, 0)),
            pl.BlockSpec((D, H), lambda i: (0, 0)),
            pl.BlockSpec((1, H), lambda i: (0, 0)),
            pl.BlockSpec((H, D), lambda i: (0, 0)),
            pl.BlockSpec((1, D), lambda i: (0, 0)),
        ],
        out_specs=pl.BlockSpec((R, D), lambda i: (i, 0)),
        out_shape=jax.ShapeDtypeStruct((N, D), jnp.float32),
    )(aggr4, cnt2, x, cconst, embC16, W1, b1, W2, b2)


def kernel(x, edge_index, edge_attr, E1, E2, W1, b1, W2, b2):
    src = edge_index[0].astype(jnp.int32)
    dst = edge_index[1].astype(jnp.int32)
    combo = (edge_attr[:, 0] * 3 + edge_attr[:, 1]).astype(jnp.int32)
    k9 = jnp.arange(9)
    embC = (E1[k9 // 3] + E2[k9 % 3]).astype(jnp.float32)
    embC16 = jnp.concatenate(
        [embC, jnp.zeros((16 - 9, D), jnp.float32)], axis=0)
    xq4 = jnp.concatenate([x[:, k * QD:(k + 1) * QD] for k in range(NQ)],
                          axis=0).astype(jnp.bfloat16)
    pad = EP - E
    srcp = jnp.concatenate([src, jnp.zeros((pad,), jnp.int32)])
    dstp = jnp.concatenate([dst, jnp.full((pad,), DUMP, jnp.int32)])
    cmbp = jnp.concatenate([combo, jnp.zeros((pad,), jnp.int32)])
    gidx4 = jnp.stack([srcp + q * N for q in range(NQ)]).reshape(
        NQ, NT, M, KB)
    ddst = dstp.reshape(NT, M, KB)
    oidx = (cmbp * REP
            + (jnp.arange(EP, dtype=jnp.int32) % REP)).reshape(NT, M, KB)
    eyeb = jnp.repeat(jnp.eye(16, dtype=jnp.float32)[:9], REP, axis=0)
    za = jnp.zeros((RPT, QD), jnp.bfloat16)
    zc = jnp.zeros((RPT, 16), jnp.float32)
    cconst = (E1[4] + E2[0]).reshape(1, D)
    aggr4, cnt2 = _sc_aggregate(xq4, gidx4, ddst, oidx, eyeb, za, zc)
    return _tc_mlp(aggr4, cnt2, x, cconst, embC16, W1,
                   b1.reshape(1, H), W2, b2.reshape(1, D))

# --- scband reference (transcript-rebuilt; emitter-appended) ---
"""Pipeline reference for scband-attention-dti-58308476011009 (READ-ONLY COPY).

The authoritative reference and input builder live on the scoring server;
editing this copy changes nothing except your own understanding.
"""

import jax, jax.numpy as jnp
import numpy as np

N, E, D, H = 10000, 160000, 256, 512

def setup_inputs(seed: int = 0) -> dict:
    key = jax.random.key(seed)
    ks = jax.random.split(key, 8)
    x = jax.random.normal(ks[0], (N, D), dtype=jnp.float32)
    edge_index = jax.random.randint(ks[1], (2, E), 0, N)
    edge_attr = jax.random.randint(ks[2], (E, 2), 0, 3)
    E1 = jax.random.normal(ks[3], (5, D), dtype=jnp.float32) * 0.1   # bond-type embedding (num_bond_type=5)
    E2 = jax.random.normal(ks[4], (3, D), dtype=jnp.float32) * 0.1   # bond-direction embedding (num_bond_direction=3)
    W1 = jax.random.normal(ks[5], (D, H), dtype=jnp.float32) * (1.0 / np.sqrt(D))
    b1 = jnp.zeros((H,), dtype=jnp.float32)
    W2 = jax.random.normal(ks[6], (H, D), dtype=jnp.float32) * (1.0 / np.sqrt(H))
    b2 = jnp.zeros((D,), dtype=jnp.float32)
    return {"x": x, "edge_index": edge_index, "edge_attr": edge_attr,
            "E1": E1, "E2": E2, "W1": W1, "b1": b1, "W2": W2, "b2": b2}

def reference(x, edge_index, edge_attr, E1, E2, W1, b1, W2, b2):
    # GINEConv.forward: add self loops, embed edge attrs, message = x_j + edge_emb,
    # sum-aggregate by destination node, then update MLP (D -> 2D -> D).
    n = x.shape[0]
    loops = jnp.arange(n, dtype=edge_index.dtype)
    ei = jnp.concatenate([edge_index, jnp.stack([loops, loops], axis=0)], axis=1)
    self_loop_attr = jnp.zeros((n, 2), dtype=edge_attr.dtype).at[:, 0].set(4)
    ea = jnp.concatenate([edge_attr, self_loop_attr], axis=0)
    edge_emb = jnp.take(E1, ea[:, 0], axis=0) + jnp.take(E2, ea[:, 1], axis=0)
    src = ei[0]
    dst = ei[1]
    msg = jnp.take(x, src, axis=0) + edge_emb
    aggr = jnp.zeros_like(x).at[dst].add(msg)
    h = jnp.maximum(aggr @ W1 + b1, 0.0) @ W2 + b2
    return h

if __name__ == "__main__":
    import jax
    _d = setup_inputs()
    print(jax.jit(kernel)(*tuple(_d.values())))

</pallas_src>

<mosaic_0001>
#map = affine_map<(d0, d1) -> (0, 0)>
#map1 = affine_map<(d0, d1) -> (0, 0, 0, 0)>
#map2 = affine_map<(d0, d1) -> (0, 0, 0)>
module attributes {stable_mosaic.version = 14 : i64} {
  func.func @k(%arg0: i32, %arg1: i32, %arg2: memref<40000x64xbf16, #tpu.memory_space<hbm>>, %arg3: memref<4x16x40x256xi32, #tpu.memory_space<hbm>>, %arg4: memref<16x40x256xi32, #tpu.memory_space<hbm>>, %arg5: memref<16x40x256xi32, #tpu.memory_space<hbm>>, %arg6: memref<2304x16xf32, #tpu.memory_space<hbm>>, %arg7: memref<640x64xbf16, #tpu.memory_space<hbm>>, %arg8: memref<640x16xf32, #tpu.memory_space<hbm>>, %arg9: memref<4x10240x64xbf16, #tpu.memory_space<hbm>>, %arg10: memref<2x10240x16xf32, #tpu.memory_space<hbm>>, %arg11: memref<40x256xi32, #tpu.memory_space<vmem>>, %arg12: memref<40x256xi32, #tpu.memory_space<vmem>>, %arg13: memref<256x64xbf16, #tpu.memory_space<vmem>>, %arg14: memref<256x64xbf16, #tpu.memory_space<vmem>>, %arg15: memref<256x64xbf16, #tpu.memory_space<vmem>>, %arg16: memref<256x64xbf16, #tpu.memory_space<vmem>>, %arg17: memref<256x16xf32, #tpu.memory_space<vmem>>, %arg18: memref<256x16xf32, #tpu.memory_space<vmem>>, %arg19: memref<256x16xf32, #tpu.memory_space<vmem>>, %arg20: memref<256x16xf32, #tpu.memory_space<vmem>>, %arg21: memref<10240x64xbf16, #tpu.memory_space<vmem_shared>>, %arg22: memref<10240x16xf32, #tpu.memory_space<vmem_shared>>, %arg23: memref<!tpu.dma_semaphore, #tpu.memory_space<semaphore_mem>>, %arg24: memref<!tpu.dma_semaphore, #tpu.memory_space<semaphore_mem>>, %arg25: memref<!tpu.dma_semaphore, #tpu.memory_space<semaphore_mem>>, %arg26: memref<!tpu.dma_semaphore, #tpu.memory_space<semaphore_mem>>, %arg27: memref<!tpu.dma_semaphore, #tpu.memory_space<semaphore_mem>>, %arg28: memref<!tpu.dma_semaphore, #tpu.memory_space<semaphore_mem>>, %arg29: memref<!tpu.dma_semaphore, #tpu.memory_space<semaphore_mem>>, %arg30: memref<!tpu.dma_semaphore, #tpu.memory_space<semaphore_mem>>) attributes {dimension_semantics = [#tpu.dimension_semantics<core_parallel>, #tpu.dimension_semantics<subcore_parallel>], iteration_bounds = array<i64: 2, 16>, scalar_prefetch = 0 : i64, scratch_operands = 20 : i64, tpu.core_type = #tpu.core_type<sc_vector_subcore>, window_params = [{transform_indices = #map}, {transform_indices = #map1}, {transform_indices = #map2}, {transform_indices = #map2}, {transform_indices = #map}, {transform_indices = #map}, {transform_indices = #map}, {transform_indices = #map2}, {transform_indices = #map2}]} {
    %add3A = arith.constant 0 : i32
    %add3A_0 = arith.addi %add3A, %arg0 : i32
    "tpu.region"() ({
      %run_scoped3A = tpu.sem_alloc : memref<!tpu.dma_semaphore, #tpu.memory_space<semaphore_mem>>
      %dma_start3A_130 = arith.constant 0 : i32
      %dma_start3A_131 = arith.constant 0 : i32
      %dma_start3A_132 = tpu.memref_slice %arg3[%add3A_0, %arg1, %dma_start3A_130, %dma_start3A_131] : memref<4x16x40x256xi32, #tpu.memory_space<hbm>> -> memref<1x1x40x256xi32, #tpu.memory_space<hbm>>
      %dma_start3A_133 = tpu.memref_squeeze %dma_start3A_132 : memref<1x1x40x256xi32, #tpu.memory_space<hbm>> -> memref<40x256xi32, #tpu.memory_space<hbm>>
      %dma_start3A_134 = arith.constant 0 : i32
      %dma_start3A_135 = arith.constant 0 : i32
      %dma_start3A_136 = tpu.memref_slice %arg3[%add3A_0, %arg1, %dma_start3A_134, %dma_start3A_135] : memref<4x16x40x256xi32, #tpu.memory_space<hbm>> -> memref<1x1x40x256xi32, #tpu.memory_space<hbm>>
      %dma_start3A_137 = tpu.memref_squeeze %dma_start3A_136 : memref<1x1x40x256xi32, #tpu.memory_space<hbm>> -> memref<40x256xi32, #tpu.memory_space<hbm>>
      tpu.enqueue_dma source(%dma_start3A_137 : memref<40x256xi32, #tpu.memory_space<hbm>>) target(%arg11 : memref<40x256xi32, #tpu.memory_space<vmem>>) target_semaphore(%run_scoped3A : memref<!tpu.dma_semaphore, #tpu.memory_space<semaphore_mem>>)
      %dma_wait3A_138 = arith.constant 0 : i32
      %dma_wait3A_139 = arith.constant 0 : i32
      %dma_wait3A_140 = tpu.memref_slice %arg3[%add3A_0, %arg1, %dma_wait3A_138, %dma_wait3A_139] : memref<4x16x40x256xi32, #tpu.memory_space<hbm>> -> memref<1x1x40x256xi32, #tpu.memory_space<hbm>>
      %dma_wait3A_141 = tpu.memref_squeeze %dma_wait3A_140 : memref<1x1x40x256xi32, #tpu.memory_space<hbm>> -> memref<40x256xi32, #tpu.memory_space<hbm>>
      %dma_wait3A_142 = arith.constant 0 : i32
      %dma_wait3A_143 = arith.constant 0 : i32
      %dma_wait3A_144 = tpu.memref_slice %arg3[%add3A_0, %arg1, %dma_wait3A_142, %dma_wait3A_143] : memref<4x16x40x256xi32, #tpu.memory_space<hbm>> -> memref<1x1x40x256xi32, #tpu.memory_space<hbm>>
      %dma_wait3A_145 = tpu.memref_squeeze %dma_wait3A_144 : memref<1x1x40x256xi32, #tpu.memory_space<hbm>> -> memref<40x256xi32, #tpu.memory_space<hbm>>
      tpu.wait_dma2 semaphore(%run_scoped3A : memref<!tpu.dma_semaphore, #tpu.memory_space<semaphore_mem>>) src(%dma_wait3A_145 : memref<40x256xi32, #tpu.memory_space<hbm>>) dst(%arg11 : memref<40x256xi32, #tpu.memory_space<vmem>>)
      tpu.yield
    }) : () -> ()
    "tpu.region"() ({
      %run_scoped3A = tpu.sem_alloc : memref<!tpu.dma_semaphore, #tpu.memory_space<semaphore_mem>>
      %dma_start3A_130 = arith.constant 0 : i32
      %dma_start3A_131 = arith.constant 0 : i32
      %dma_start3A_132 = tpu.memref_slice %arg4[%arg1, %dma_start3A_130, %dma_start3A_131] : memref<16x40x256xi32, #tpu.memory_space<hbm>> -> memref<1x40x256xi32, #tpu.memory_space<hbm>>
      %dma_start3A_133 = tpu.memref_squeeze %dma_start3A_132 : memref<1x40x256xi32, #tpu.memory_space<hbm>> -> memref<40x256xi32, #tpu.memory_space<hbm>>
      %dma_start3A_134 = arith.constant 0 : i32
      %dma_start3A_135 = arith.constant 0 : i32
      %dma_start3A_136 = tpu.memref_slice %arg4[%arg1, %dma_start3A_134, %dma_start3A_135] : memref<16x40x256xi32, #tpu.memory_space<hbm>> -> memref<1x40x256xi32, #tpu.memory_space<hbm>>
      %dma_start3A_137 = tpu.memref_squeeze %dma_start3A_136 : memref<1x40x256xi32, #tpu.memory_space<hbm>> -> memref<40x256xi32, #tpu.memory_space<hbm>>
      tpu.enqueue_dma source(%dma_start3A_137 : memref<40x256xi32, #tpu.memory_space<hbm>>) target(%arg12 : memref<40x256xi32, #tpu.memory_space<vmem>>) target_semaphore(%run_scoped3A : memref<!tpu.dma_semaphore, #tpu.memory_space<semaphore_mem>>)
      %dma_wait3A_138 = arith.constant 0 : i32
      %dma_wait3A_139 = arith.constant 0 : i32
      %dma_wait3A_140 = tpu.memref_slice %arg4[%arg1, %dma_wait3A_138, %dma_wait3A_139] : memref<16x40x256xi32, #tpu.memory_space<hbm>> -> memref<1x40x256xi32, #tpu.memory_space<hbm>>
      %dma_wait3A_141 = tpu.memref_squeeze %dma_wait3A_140 : memref<1x40x256xi32, #tpu.memory_space<hbm>> -> memref<40x256xi32, #tpu.memory_space<hbm>>
      %dma_wait3A_142 = arith.constant 0 : i32
      %dma_wait3A_143 = arith.constant 0 : i32
      %dma_wait3A_144 = tpu.memref_slice %arg4[%arg1, %dma_wait3A_142, %dma_wait3A_143] : memref<16x40x256xi32, #tpu.memory_space<hbm>> -> memref<1x40x256xi32, #tpu.memory_space<hbm>>
      %dma_wait3A_145 = tpu.memref_squeeze %dma_wait3A_144 : memref<1x40x256xi32, #tpu.memory_space<hbm>> -> memref<40x256xi32, #tpu.memory_space<hbm>>
      tpu.wait_dma2 semaphore(%run_scoped3A : memref<!tpu.dma_semaphore, #tpu.memory_space<semaphore_mem>>) src(%dma_wait3A_145 : memref<40x256xi32, #tpu.memory_space<hbm>>) dst(%arg12 : memref<40x256xi32, #tpu.memory_space<vmem>>)
      tpu.yield
    }) : () -> ()
    %mul3A = arith.constant 640 : i32
    %mul3A_1 = arith.muli %arg1, %mul3A : i32
    "tpu.region"() ({
      %run_scoped3A = tpu.sem_alloc : memref<!tpu.dma_semaphore, #tpu.memory_space<semaphore_mem>>
      %dma_start3A_130 = arith.constant 0 : i32
      %dma_start3A_131 = tpu.memref_slice %arg21[%mul3A_1, %dma_start3A_130] : memref<10240x64xbf16, #tpu.memory_space<vmem_shared>> -> memref<640x64xbf16, #tpu.memory_space<vmem_shared>>
      tpu.enqueue_dma source(%arg7 : memref<640x64xbf16, #tpu.memory_space<hbm>>) target(%dma_start3A_131 : memref<640x64xbf16, #tpu.memory_space<vmem_shared>>) target_semaphore(%run_scoped3A : memref<!tpu.dma_semaphore, #tpu.memory_space<semaphore_mem>>)
      %dma_wait3A_132 = arith.constant 0 : i32
      %dma_wait3A_133 = tpu.memref_slice %arg21[%mul3A_1, %dma_wait3A_132] : memref<10240x64xbf16, #tpu.memory_space<vmem_shared>> -> memref<640x64xbf16, #tpu.memory_space<vmem_shared>>
      tpu.wait_dma2 semaphore(%run_scoped3A : memref<!tpu.dma_semaphore, #tpu.memory_space<semaphore_mem>>) src(%arg7 : memref<640x64xbf16, #tpu.memory_space<hbm>>) dst(%dma_wait3A_133 : memref<640x64xbf16, #tpu.memory_space<vmem_shared>>)
      tpu.yield
    }) : () -> ()
    %barrier3A = arith.constant 0 : index
    tpu.barrier barrier_id(%barrier3A)
    %dma_start3A = arith.constant 0 : i32
    %dma_start3A_2 = arith.constant 0 : i32
    %dma_start3A_3 = tpu.memref_slice %arg11[%dma_start3A, %dma_start3A_2] : memref<40x256xi32, #tpu.memory_space<vmem>> -> memref<1x256xi32, #tpu.memory_space<vmem>>
    %dma_start3A_4 = tpu.memref_squeeze %dma_start3A_3 : memref<1x256xi32, #tpu.memory_space<vmem>> -> memref<256xi32, #tpu.memory_space<vmem>>
    %dma_start3A_5 = arith.constant 0 : i32
    %dma_start3A_6 = arith.constant 0 : i32
    %dma_start3A_7 = tpu.memref_slice %arg2[%dma_start3A_5, %dma_start3A_6] : memref<40000x64xbf16, #tpu.memory_space<hbm>> -> memref<40000x64xbf16, #tpu.memory_space<hbm>>
    tpu.enqueue_indirect_dma source(%dma_start3A_7 : memref<40000x64xbf16, #tpu.memory_space<hbm>>) target(%arg13 : memref<256x64xbf16, #tpu.memory_space<vmem>>) offsets(%dma_start3A_4 : memref<256xi32, #tpu.memory_space<vmem>>) semaphore(%arg23 : memref<!tpu.dma_semaphore, #tpu.memory_space<semaphore_mem>>)
    %dma_start3A_8 = arith.constant 1 : i32
    %dma_start3A_9 = arith.constant 0 : i32
    %dma_start3A_10 = tpu.memref_slice %arg11[%dma_start3A_8, %dma_start3A_9] : memref<40x256xi32, #tpu.memory_space<vmem>> -> memref<1x256xi32, #tpu.memory_space<vmem>>
    %dma_start3A_11 = tpu.memref_squeeze %dma_start3A_10 : memref<1x256xi32, #tpu.memory_space<vmem>> -> memref<256xi32, #tpu.memory_space<vmem>>
    %dma_start3A_12 = arith.constant 0 : i32
    %dma_start3A_13 = arith.constant 0 : i32
    %dma_start3A_14 = tpu.memref_slice %arg2[%dma_start3A_12, %dma_start3A_13] : memref<40000x64xbf16, #tpu.memory_space<hbm>> -> memref<40000x64xbf16, #tpu.memory_space<hbm>>
    tpu.enqueue_indirect_dma source(%dma_start3A_14 : memref<40000x64xbf16, #tpu.memory_space<hbm>>) target(%arg14 : memref<256x64xbf16, #tpu.memory_space<vmem>>) offsets(%dma_start3A_11 : memref<256xi32, #tpu.memory_space<vmem>>) semaphore(%arg24 : memref<!tpu.dma_semaphore, #tpu.memory_space<semaphore_mem>>)
    %scan3A = arith.constant 0 : i32
    %scan3A_15 = arith.constant 0 : i32
    %scan3A_16 = arith.constant 10 : i32
    %scan3A_17 = arith.addi %scan3A_15, %scan3A_16 : i32
    %scan3A_18 = arith.constant 1 : i32
    scf.for %scan3A_130 = %scan3A_15 to %scan3A_17 step %scan3A_18  : i32 {
      %mul3A_131 = arith.constant 4 : i32
      %mul3A_132 = arith.muli %scan3A_130, %mul3A_131 : i32
      %add3A_133 = arith.constant 0 : i32
      %add3A_134 = arith.addi %mul3A_132, %add3A_133 : i32
      %ge3A = arith.constant 2 : i32
      %ge3A_135 = arith.cmpi sge, %add3A_134, %ge3A : i32
      %convert_element_type3A = arith.extui %ge3A_135 : i1 to i32
      %cond3A = arith.constant 0 : i32
      %cond3A_136 = arith.cmpi ne, %convert_element_type3A, %cond3A : i32
      scf.if %cond3A_136 {
        %sub3A = arith.constant 2 : i32
        %sub3A_233 = arith.subi %add3A_134, %sub3A : i32
        %dma_wait3A_234 = arith.constant 0 : i32
        %dma_wait3A_235 = tpu.memref_slice %arg12[%sub3A_233, %dma_wait3A_234] : memref<40x256xi32, #tpu.memory_space<vmem>> -> memref<1x256xi32, #tpu.memory_space<vmem>>
        %dma_wait3A_236 = tpu.memref_squeeze %dma_wait3A_235 : memref<1x256xi32, #tpu.memory_space<vmem>> -> memref<256xi32, #tpu.memory_space<vmem>>
        %dma_wait3A_237 = arith.constant 0 : i32
        %dma_wait3A_238 = arith.constant 0 : i32
        %dma_wait3A_239 = tpu.memref_slice %arg21[%dma_wait3A_237, %dma_wait3A_238] : memref<10240x64xbf16, #tpu.memory_space<vmem_shared>> -> memref<10240x64xbf16, #tpu.memory_space<vmem_shared>>
        tpu.wait_indirect_dma semaphore(%arg29 : memref<!tpu.dma_semaphore, #tpu.memory_space<semaphore_mem>>) src(%arg15 : memref<256x64xbf16, #tpu.memory_space<vmem>>) dst(%dma_wait3A_239 : memref<10240x64xbf16, #tpu.memory_space<vmem_shared>>)
      } else {
      }
      %add3A_137 = arith.constant 2 : i32
      %add3A_138 = arith.addi %add3A_134, %add3A_137 : i32
      %lt3A = arith.constant 40 : i32
      %lt3A_139 = arith.cmpi slt, %add3A_138, %lt3A : i32
      %convert_element_type3A_140 = arith.extui %lt3A_139 : i1 to i32
      %cond3A_141 = arith.constant 0 : i32
      %cond3A_142 = arith.cmpi ne, %convert_element_type3A_140, %cond3A_141 : i32
      scf.if %cond3A_142 {
        %add3A_233 = arith.constant 2 : i32
        %add3A_234 = arith.addi %add3A_134, %add3A_233 : i32
        %dma_start3A_235 = arith.constant 0 : i32
        %dma_start3A_236 = tpu.memref_slice %arg11[%add3A_234, %dma_start3A_235] : memref<40x256xi32, #tpu.memory_space<vmem>> -> memref<1x256xi32, #tpu.memory_space<vmem>>
        %dma_start3A_237 = tpu.memref_squeeze %dma_start3A_236 : memref<1x256xi32, #tpu.memory_space<vmem>> -> memref<256xi32, #tpu.memory_space<vmem>>
        %dma_start3A_238 = arith.constant 0 : i32
        %dma_start3A_239 = arith.constant 0 : i32
        %dma_start3A_240 = tpu.memref_slice %arg2[%dma_start3A_238, %dma_start3A_239] : memref<40000x64xbf16, #tpu.memory_space<hbm>> -> memref<40000x64xbf16, #tpu.memory_space<hbm>>
        tpu.enqueue_indirect_dma source(%dma_start3A_240 : memref<40000x64xbf16, #tpu.memory_space<hbm>>) target(%arg15 : memref<256x64xbf16, #tpu.memory_space<vmem>>) offsets(%dma_start3A_237 : memref<256xi32, #tpu.memory_space<vmem>>) semaphore(%arg25 : memref<!tpu.dma_semaphore, #tpu.memory_space<semaphore_mem>>)
      } else {
      }
      %dma_wait3A_143 = arith.constant 0 : i32
      %dma_wait3A_144 = tpu.memref_slice %arg11[%add3A_134, %dma_wait3A_143] : memref<40x256xi32, #tpu.memory_space<vmem>> -> memref<1x256xi32, #tpu.memory_space<vmem>>
      %dma_wait3A_145 = tpu.memref_squeeze %dma_wait3A_144 : memref<1x256xi32, #tpu.memory_space<vmem>> -> memref<256xi32, #tpu.memory_space<vmem>>
      %dma_wait3A_146 = arith.constant 0 : i32
      %dma_wait3A_147 = arith.constant 0 : i32
      %dma_wait3A_148 = tpu.memref_slice %arg2[%dma_wait3A_146, %dma_wait3A_147] : memref<40000x64xbf16, #tpu.memory_space<hbm>> -> memref<40000x64xbf16, #tpu.memory_space<hbm>>
      tpu.wait_indirect_dma semaphore(%arg23 : memref<!tpu.dma_semaphore, #tpu.memory_space<semaphore_mem>>) src(%dma_wait3A_148 : memref<40000x64xbf16, #tpu.memory_space<hbm>>) dst(%arg13 : memref<256x64xbf16, #tpu.memory_space<vmem>>)
      %dma_start3A_149 = arith.constant 0 : i32
      %dma_start3A_150 = tpu.memref_slice %arg12[%add3A_134, %dma_start3A_149] : memref<40x256xi32, #tpu.memory_space<vmem>> -> memref<1x256xi32, #tpu.memory_space<vmem>>
      %dma_start3A_151 = tpu.memref_squeeze %dma_start3A_150 : memref<1x256xi32, #tpu.memory_space<vmem>> -> memref<256xi32, #tpu.memory_space<vmem>>
      %dma_start3A_152 = arith.constant 0 : i32
      %dma_start3A_153 = arith.constant 0 : i32
      %dma_start3A_154 = tpu.memref_slice %arg21[%dma_start3A_152, %dma_start3A_153] : memref<10240x64xbf16, #tpu.memory_space<vmem_shared>> -> memref<10240x64xbf16, #tpu.memory_space<vmem_shared>>
      tpu.enqueue_indirect_dma source(%arg13 : memref<256x64xbf16, #tpu.memory_space<vmem>>) target(%dma_start3A_154 : memref<10240x64xbf16, #tpu.memory_space<vmem_shared>>) offsets(%dma_start3A_151 : memref<256xi32, #tpu.memory_space<vmem>>) semaphore(%arg27 : memref<!tpu.dma_semaphore, #tpu.memory_space<semaphore_mem>>) {add = true}
      %add3A_155 = arith.constant 1 : i32
      %add3A_156 = arith.addi %mul3A_132, %add3A_155 : i32
      %ge3A_157 = arith.constant 2 : i32
      %ge3A_158 = arith.cmpi sge, %add3A_156, %ge3A_157 : i32
      %convert_element_type3A_159 = arith.extui %ge3A_158 : i1 to i32
      %cond3A_160 = arith.constant 0 : i32
      %cond3A_161 = arith.cmpi ne, %convert_element_type3A_159, %cond3A_160 : i32
      scf.if %cond3A_161 {
        %sub3A = arith.constant 2 : i32
        %sub3A_233 = arith.subi %add3A_156, %sub3A : i32
        %dma_wait3A_234 = arith.constant 0 : i32
        %dma_wait3A_235 = tpu.memref_slice %arg12[%sub3A_233, %dma_wait3A_234] : memref<40x256xi32, #tpu.memory_space<vmem>> -> memref<1x256xi32, #tpu.memory_space<vmem>>
        %dma_wait3A_236 = tpu.memref_squeeze %dma_wait3A_235 : memref<1x256xi32, #tpu.memory_space<vmem>> -> memref<256xi32, #tpu.memory_space<vmem>>
        %dma_wait3A_237 = arith.constant 0 : i32
        %dma_wait3A_238 = arith.constant 0 : i32
        %dma_wait3A_239 = tpu.memref_slice %arg21[%dma_wait3A_237, %dma_wait3A_238] : memref<10240x64xbf16, #tpu.memory_space<vmem_shared>> -> memref<10240x64xbf16, #tpu.memory_space<vmem_shared>>
        tpu.wait_indirect_dma semaphore(%arg30 : memref<!tpu.dma_semaphore, #tpu.memory_space<semaphore_mem>>) src(%arg16 : memref<256x64xbf16, #tpu.memory_space<vmem>>) dst(%dma_wait3A_239 : memref<10240x64xbf16, #tpu.memory_space<vmem_shared>>)
      } else {
      }
      %add3A_162 = arith.constant 2 : i32
      %add3A_163 = arith.addi %add3A_156, %add3A_162 : i32
      %lt3A_164 = arith.constant 40 : i32
      %lt3A_165 = arith.cmpi slt, %add3A_163, %lt3A_164 : i32
      %convert_element_type3A_166 = arith.extui %lt3A_165 : i1 to i32
      %cond3A_167 = arith.constant 0 : i32
      %cond3A_168 = arith.cmpi ne, %convert_element_type3A_166, %cond3A_167 : i32
      scf.if %cond3A_168 {
        %add3A_233 = arith.constant 2 : i32
        %add3A_234 = arith.addi %add3A_156, %add3A_233 : i32
        %dma_start3A_235 = arith.constant 0 : i32
        %dma_start3A_236 = tpu.memref_slice %arg11[%add3A_234, %dma_start3A_235] : memref<40x256xi32, #tpu.memory_space<vmem>> -> memref<1x256xi32, #tpu.memory_space<vmem>>
        %dma_start3A_237 = tpu.memref_squeeze %dma_start3A_236 : memref<1x256xi32, #tpu.memory_space<vmem>> -> memref<256xi32, #tpu.memory_space<vmem>>
        %dma_start3A_238 = arith.constant 0 : i32
        %dma_start3A_239 = arith.constant 0 : i32
        %dma_start3A_240 = tpu.memref_slice %arg2[%dma_start3A_238, %dma_start3A_239] : memref<40000x64xbf16, #tpu.memory_space<hbm>> -> memref<40000x64xbf16, #tpu.memory_space<hbm>>
        tpu.enqueue_indirect_dma source(%dma_start3A_240 : memref<40000x64xbf16, #tpu.memory_space<hbm>>) target(%arg16 : memref<256x64xbf16, #tpu.memory_space<vmem>>) offsets(%dma_start3A_237 : memref<256xi32, #tpu.memory_space<vmem>>) semaphore(%arg26 : memref<!tpu.dma_semaphore, #tpu.memory_space<semaphore_mem>>)
      } else {
      }
      %dma_wait3A_169 = arith.constant 0 : i32
      %dma_wait3A_170 = tpu.memref_slice %arg11[%add3A_156, %dma_wait3A_169] : memref<40x256xi32, #tpu.memory_space<vmem>> -> memref<1x256xi32, #tpu.memory_space<vmem>>
      %dma_wait3A_171 = tpu.memref_squeeze %dma_wait3A_170 : memref<1x256xi32, #tpu.memory_space<vmem>> -> memref<256xi32, #tpu.memory_space<vmem>>
      %dma_wait3A_172 = arith.constant 0 : i32
      %dma_wait3A_173 = arith.constant 0 : i32
      %dma_wait3A_174 = tpu.memref_slice %arg2[%dma_wait3A_172, %dma_wait3A_173] : memref<40000x64xbf16, #tpu.memory_space<hbm>> -> memref<40000x64xbf16, #tpu.memory_space<hbm>>
      tpu.wait_indirect_dma semaphore(%arg24 : memref<!tpu.dma_semaphore, #tpu.memory_space<semaphore_mem>>) src(%dma_wait3A_174 : memref<40000x64xbf16, #tpu.memory_space<hbm>>) dst(%arg14 : memref<256x64xbf16, #tpu.memory_space<vmem>>)
      %dma_start3A_175 = arith.constant 0 : i32
      %dma_start3A_176 = tpu.memref_slice %arg12[%add3A_156, %dma_start3A_175] : memref<40x256xi32, #tpu.memory_space<vmem>> -> memref<1x256xi32, #tpu.memory_space<vmem>>
      %dma_start3A_177 = tpu.memref_squeeze %dma_start3A_176 : memref<1x256xi32, #tpu.memory_space<vmem>> -> memref<256xi32, #tpu.memory_space<vmem>>
      %dma_start3A_178 = arith.constant 0 : i32
      %dma_start3A_179 = arith.constant 0 : i32
      %dma_start3A_180 = tpu.memref_slice %arg21[%dma_start3A_178, %dma_start3A_179] : memref<10240x64xbf16, #tpu.memory_space<vmem_shared>> -> memref<10240x64xbf16, #tpu.memory_space<vmem_shared>>
      tpu.enqueue_indirect_dma source(%arg14 : memref<256x64xbf16, #tpu.memory_space<vmem>>) target(%dma_start3A_180 : memref<10240x64xbf16, #tpu.memory_space<vmem_shared>>) offsets(%dma_start3A_177 : memref<256xi32, #tpu.memory_space<vmem>>) semaphore(%arg28 : memref<!tpu.dma_semaphore, #tpu.memory_space<semaphore_mem>>) {add = true}
      %add3A_181 = arith.constant 2 : i32
      %add3A_182 = arith.addi %mul3A_132, %add3A_181 : i32
      %ge3A_183 = arith.constant 2 : i32
      %ge3A_184 = arith.cmpi sge, %add3A_182, %ge3A_183 : i32
      %convert_element_type3A_185 = arith.extui %ge3A_184 : i1 to i32
      %cond3A_186 = arith.constant 0 : i32
      %cond3A_187 = arith.cmpi ne, %convert_element_type3A_185, %cond3A_186 : i32
      scf.if %cond3A_187 {
        %sub3A = arith.constant 2 : i32
        %sub3A_233 = arith.subi %add3A_182, %sub3A : i32
        %dma_wait3A_234 = arith.constant 0 : i32
        %dma_wait3A_235 = tpu.memref_slice %arg12[%sub3A_233, %dma_wait3A_234] : memref<40x256xi32, #tpu.memory_space<vmem>> -> memref<1x256xi32, #tpu.memory_space<vmem>>
        %dma_wait3A_236 = tpu.memref_squeeze %dma_wait3A_235 : memref<1x256xi32, #tpu.memory_space<vmem>> -> memref<256xi32, #tpu.memory_space<vmem>>
        %dma_wait3A_237 = arith.constant 0 : i32
        %dma_wait3A_238 = arith.constant 0 : i32
        %dma_wait3A_239 = tpu.memref_slice %arg21[%dma_wait3A_237, %dma_wait3A_238] : memref<10240x64xbf16, #tpu.memory_space<vmem_shared>> -> memref<10240x64xbf16, #tpu.memory_space<vmem_shared>>
        tpu.wait_indirect_dma semaphore(%arg27 : memref<!tpu.dma_semaphore, #tpu.memory_space<semaphore_mem>>) src(%arg13 : memref<256x64xbf16, #tpu.memory_space<vmem>>) dst(%dma_wait3A_239 : memref<10240x64xbf16, #tpu.memory_space<vmem_shared>>)
      } else {
      }
      %add3A_188 = arith.constant 2 : i32
      %add3A_189 = arith.addi %add3A_182, %add3A_188 : i32
      %lt3A_190 = arith.constant 40 : i32
      %lt3A_191 = arith.cmpi slt, %add3A_189, %lt3A_190 : i32
      %convert_element_type3A_192 = arith.extui %lt3A_191 : i1 to i32
      %cond3A_193 = arith.constant 0 : i32
      %cond3A_194 = arith.cmpi ne, %convert_element_type3A_192, %cond3A_193 : i32
      scf.if %cond3A_194 {
        %add3A_233 = arith.constant 2 : i32
        %add3A_234 = arith.addi %add3A_182, %add3A_233 : i32
        %dma_start3A_235 = arith.constant 0 : i32
        %dma_start3A_236 = tpu.memref_slice %arg11[%add3A_234, %dma_start3A_235] : memref<40x256xi32, #tpu.memory_space<vmem>> -> memref<1x256xi32, #tpu.memory_space<vmem>>
        %dma_start3A_237 = tpu.memref_squeeze %dma_start3A_236 : memref<1x256xi32, #tpu.memory_space<vmem>> -> memref<256xi32, #tpu.memory_space<vmem>>
        %dma_start3A_238 = arith.constant 0 : i32
        %dma_start3A_239 = arith.constant 0 : i32
        %dma_start3A_240 = tpu.memref_slice %arg2[%dma_start3A_238, %dma_start3A_239] : memref<40000x64xbf16, #tpu.memory_space<hbm>> -> memref<40000x64xbf16, #tpu.memory_space<hbm>>
        tpu.enqueue_indirect_dma source(%dma_start3A_240 : memref<40000x64xbf16, #tpu.memory_space<hbm>>) target(%arg13 : memref<256x64xbf16, #tpu.memory_space<vmem>>) offsets(%dma_start3A_237 : memref<256xi32, #tpu.memory_space<vmem>>) semaphore(%arg23 : memref<!tpu.dma_semaphore, #tpu.memory_space<semaphore_mem>>)
      } else {
      }
      %dma_wait3A_195 = arith.constant 0 : i32
      %dma_wait3A_196 = tpu.memref_slice %arg11[%add3A_182, %dma_wait3A_195] : memref<40x256xi32, #tpu.memory_space<vmem>> -> memref<1x256xi32, #tpu.memory_space<vmem>>
      %dma_wait3A_197 = tpu.memref_squeeze %dma_wait3A_196 : memref<1x256xi32, #tpu.memory_space<vmem>> -> memref<256xi32, #tpu.memory_space<vmem>>
      %dma_wait3A_198 = arith.constant 0 : i32
      %dma_wait3A_199 = arith.constant 0 : i32
      %dma_wait3A_200 = tpu.memref_slice %arg2[%dma_wait3A_198, %dma_wait3A_199] : memref<40000x64xbf16, #tpu.memory_space<hbm>> -> memref<40000x64xbf16, #tpu.memory_space<hbm>>
      tpu.wait_indirect_dma semaphore(%arg25 : memref<!tpu.dma_semaphore, #tpu.memory_space<semaphore_mem>>) src(%dma_wait3A_200 : memref<40000x64xbf16, #tpu.memory_space<hbm>>) dst(%arg15 : memref<256x64xbf16, #tpu.memory_space<vmem>>)
      %dma_start3A_201 = arith.constant 0 : i32
      %dma_start3A_202 = tpu.memref_slice %arg12[%add3A_182, %dma_start3A_201] : memref<40x256xi32, #tpu.memory_space<vmem>> -> memref<1x256xi32, #tpu.memory_space<vmem>>
      %dma_start3A_203 = tpu.memref_squeeze %dma_start3A_202 : memref<1x256xi32, #tpu.memory_space<vmem>> -> memref<256xi32, #tpu.memory_space<vmem>>
      %dma_start3A_204 = arith.constant 0 : i32
      %dma_start3A_205 = arith.constant 0 : i32
      %dma_start3A_206 = tpu.memref_slice %arg21[%dma_start3A_204, %dma_start3A_205] : memref<10240x64xbf16, #tpu.memory_space<vmem_shared>> -> memref<10240x64xbf16, #tpu.memory_space<vmem_shared>>
      tpu.enqueue_indirect_dma source(%arg15 : memref<256x64xbf16, #tpu.memory_space<vmem>>) target(%dma_start3A_206 : memref<10240x64xbf16, #tpu.memory_space<vmem_shared>>) offsets(%dma_start3A_203 : memref<256xi32, #tpu.memory_space<vmem>>) semaphore(%arg29 : memref<!tpu.dma_semaphore, #tpu.memory_space<semaphore_mem>>) {add = true}
      %add3A_207 = arith.constant 3 : i32
      %add3A_208 = arith.addi %mul3A_132, %add3A_207 : i32
      %ge3A_209 = arith.constant 2 : i32
      %ge3A_210 = arith.cmpi sge, %add3A_208, %ge3A_209 : i32
      %convert_element_type3A_211 = arith.extui %ge3A_210 : i1 to i32
      %cond3A_212 = arith.constant 0 : i32
      %cond3A_213 = arith.cmpi ne, %convert_element_type3A_211, %cond3A_212 : i32
      scf.if %cond3A_213 {
        %sub3A = arith.constant 2 : i32
        %sub3A_233 = arith.subi %add3A_208, %sub3A : i32
        %dma_wait3A_234 = arith.constant 0 : i32
        %dma_wait3A_235 = tpu.memref_slice %arg12[%sub3A_233, %dma_wait3A_234] : memref<40x256xi32, #tpu.memory_space<vmem>> -> memref<1x256xi32, #tpu.memory_space<vmem>>
        %dma_wait3A_236 = tpu.memref_squeeze %dma_wait3A_235 : memref<1x256xi32, #tpu.memory_space<vmem>> -> memref<256xi32, #tpu.memory_space<vmem>>
        %dma_wait3A_237 = arith.constant 0 : i32
        %dma_wait3A_238 = arith.constant 0 : i32
        %dma_wait3A_239 = tpu.memref_slice %arg21[%dma_wait3A_237, %dma_wait3A_238] : memref<10240x64xbf16, #tpu.memory_space<vmem_shared>> -> memref<10240x64xbf16, #tpu.memory_space<vmem_shared>>
        tpu.wait_indirect_dma semaphore(%arg28 : memref<!tpu.dma_semaphore, #tpu.memory_space<semaphore_mem>>) src(%arg14 : memref<256x64xbf16, #tpu.memory_space<vmem>>) dst(%dma_wait3A_239 : memref<10240x64xbf16, #tpu.memory_space<vmem_shared>>)
      } else {
      }
      %add3A_214 = arith.constant 2 : i32
      %add3A_215 = arith.addi %add3A_208, %add3A_214 : i32
      %lt3A_216 = arith.constant 40 : i32
      %lt3A_217 = arith.cmpi slt, %add3A_215, %lt3A_216 : i32
      %convert_element_type3A_218 = arith.extui %lt3A_217 : i1 to i32
      %cond3A_219 = arith.constant 0 : i32
      %cond3A_220 = arith.cmpi ne, %convert_element_type3A_218, %cond3A_219 : i32
      scf.if %cond3A_220 {
        %add3A_233 = arith.constant 2 : i32
        %add3A_234 = arith.addi %add3A_208, %add3A_233 : i32
        %dma_start3A_235 = arith.constant 0 : i32
        %dma_start3A_236 = tpu.memref_slice %arg11[%add3A_234, %dma_start3A_235] : memref<40x256xi32, #tpu.memory_space<vmem>> -> memref<1x256xi32, #tpu.memory_space<vmem>>
        %dma_start3A_237 = tpu.memref_squeeze %dma_start3A_236 : memref<1x256xi32, #tpu.memory_space<vmem>> -> memref<256xi32, #tpu.memory_space<vmem>>
        %dma_start3A_238 = arith.constant 0 : i32
        %dma_start3A_239 = arith.constant 0 : i32
        %dma_start3A_240 = tpu.memref_slice %arg2[%dma_start3A_238, %dma_start3A_239] : memref<40000x64xbf16, #tpu.memory_space<hbm>> -> memref<40000x64xbf16, #tpu.memory_space<hbm>>
        tpu.enqueue_indirect_dma source(%dma_start3A_240 : memref<40000x64xbf16, #tpu.memory_space<hbm>>) target(%arg14 : memref<256x64xbf16, #tpu.memory_space<vmem>>) offsets(%dma_start3A_237 : memref<256xi32, #tpu.memory_space<vmem>>) semaphore(%arg24 : memref<!tpu.dma_semaphore, #tpu.memory_space<semaphore_mem>>)
      } else {
      }
      %dma_wait3A_221 = arith.constant 0 : i32
      %dma_wait3A_222 = tpu.memref_slice %arg11[%add3A_208, %dma_wait3A_221] : memref<40x256xi32, #tpu.memory_space<vmem>> -> memref<1x256xi32, #tpu.memory_space<vmem>>
      %dma_wait3A_223 = tpu.memref_squeeze %dma_wait3A_222 : memref<1x256xi32, #tpu.memory_space<vmem>> -> memref<256xi32, #tpu.memory_space<vmem>>
      %dma_wait3A_224 = arith.constant 0 : i32
      %dma_wait3A_225 = arith.constant 0 : i32
      %dma_wait3A_226 = tpu.memref_slice %arg2[%dma_wait3A_224, %dma_wait3A_225] : memref<40000x64xbf16, #tpu.memory_space<hbm>> -> memref<40000x64xbf16, #tpu.memory_space<hbm>>
      tpu.wait_indirect_dma semaphore(%arg26 : memref<!tpu.dma_semaphore, #tpu.memory_space<semaphore_mem>>) src(%dma_wait3A_226 : memref<40000x64xbf16, #tpu.memory_space<hbm>>) dst(%arg16 : memref<256x64xbf16, #tpu.memory_space<vmem>>)
      %dma_start3A_227 = arith.constant 0 : i32
      %dma_start3A_228 = tpu.memref_slice %arg12[%add3A_208, %dma_start3A_227] : memref<40x256xi32, #tpu.memory_space<vmem>> -> memref<1x256xi32, #tpu.memory_space<vmem>>
      %dma_start3A_229 = tpu.memref_squeeze %dma_start3A_228 : memref<1x256xi32, #tpu.memory_space<vmem>> -> memref<256xi32, #tpu.memory_space<vmem>>
      %dma_start3A_230 = arith.constant 0 : i32
      %dma_start3A_231 = arith.constant 0 : i32
      %dma_start3A_232 = tpu.memref_slice %arg21[%dma_start3A_230, %dma_start3A_231] : memref<10240x64xbf16, #tpu.memory_space<vmem_shared>> -> memref<10240x64xbf16, #tpu.memory_space<vmem_shared>>
      tpu.enqueue_indirect_dma source(%arg16 : memref<256x64xbf16, #tpu.memory_space<vmem>>) target(%dma_start3A_232 : memref<10240x64xbf16, #tpu.memory_space<vmem_shared>>) offsets(%dma_start3A_229 : memref<256xi32, #tpu.memory_space<vmem>>) semaphore(%arg30 : memref<!tpu.dma_semaphore, #tpu.memory_space<semaphore_mem>>) {add = true}
    }
    %scan3A_19 = arith.constant 10 : i32
    %dma_wait3A = arith.constant 38 : i32
    %dma_wait3A_20 = arith.constant 0 : i32
    %dma_wait3A_21 = tpu.memref_slice %arg12[%dma_wait3A, %dma_wait3A_20] : memref<40x256xi32, #tpu.memory_space<vmem>> -> memref<1x256xi32, #tpu.memory_space<vmem>>
    %dma_wait3A_22 = tpu.memref_squeeze %dma_wait3A_21 : memref<1x256xi32, #tpu.memory_space<vmem>> -> memref<256xi32, #tpu.memory_space<vmem>>
    %dma_wait3A_23 = arith.constant 0 : i32
    %dma_wait3A_24 = arith.constant 0 : i32
    %dma_wait3A_25 = tpu.memref_slice %arg21[%dma_wait3A_23, %dma_wait3A_24] : memref<10240x64xbf16, #tpu.memory_space<vmem_shared>> -> memref<10240x64xbf16, #tpu.memory_space<vmem_shared>>
    tpu.wait_indirect_dma semaphore(%arg29 : memref<!tpu.dma_semaphore, #tpu.memory_space<semaphore_mem>>) src(%arg15 : memref<256x64xbf16, #tpu.memory_space<vmem>>) dst(%dma_wait3A_25 : memref<10240x64xbf16, #tpu.memory_space<vmem_shared>>)
    %dma_wait3A_26 = arith.constant 39 : i32
    %dma_wait3A_27 = arith.constant 0 : i32
    %dma_wait3A_28 = tpu.memref_slice %arg12[%dma_wait3A_26, %dma_wait3A_27] : memref<40x256xi32, #tpu.memory_space<vmem>> -> memref<1x256xi32, #tpu.memory_space<vmem>>
    %dma_wait3A_29 = tpu.memref_squeeze %dma_wait3A_28 : memref<1x256xi32, #tpu.memory_space<vmem>> -> memref<256xi32, #tpu.memory_space<vmem>>
    %dma_wait3A_30 = arith.constant 0 : i32
    %dma_wait3A_31 = arith.constant 0 : i32
    %dma_wait3A_32 = tpu.memref_slice %arg21[%dma_wait3A_30, %dma_wait3A_31] : memref<10240x64xbf16, #tpu.memory_space<vmem_shared>> -> memref<10240x64xbf16, #tpu.memory_space<vmem_shared>>
    tpu.wait_indirect_dma semaphore(%arg30 : memref<!tpu.dma_semaphore, #tpu.memory_space<semaphore_mem>>) src(%arg16 : memref<256x64xbf16, #tpu.memory_space<vmem>>) dst(%dma_wait3A_32 : memref<10240x64xbf16, #tpu.memory_space<vmem_shared>>)
    %barrier3A_33 = arith.constant 0 : index
    tpu.barrier barrier_id(%barrier3A_33)
    %mul3A_34 = arith.constant 640 : i32
    %mul3A_35 = arith.muli %arg1, %mul3A_34 : i32
    %mul3A_36 = arith.constant 640 : i32
    %mul3A_37 = arith.muli %arg1, %mul3A_36 : i32
    "tpu.region"() ({
      %run_scoped3A = tpu.sem_alloc : memref<!tpu.dma_semaphore, #tpu.memory_space<semaphore_mem>>
      %dma_start3A_130 = arith.constant 0 : i32
      %dma_start3A_131 = tpu.memref_slice %arg9[%add3A_0, %mul3A_37, %dma_start3A_130] : memref<4x10240x64xbf16, #tpu.memory_space<hbm>> -> memref<1x640x64xbf16, #tpu.memory_space<hbm>>
      %dma_start3A_132 = tpu.memref_squeeze %dma_start3A_131 : memref<1x640x64xbf16, #tpu.memory_space<hbm>> -> memref<640x64xbf16, #tpu.memory_space<hbm>>
      %dma_start3A_133 = arith.constant 0 : i32
      %dma_start3A_134 = tpu.memref_slice %arg21[%mul3A_35, %dma_start3A_133] : memref<10240x64xbf16, #tpu.memory_space<vmem_shared>> -> memref<640x64xbf16, #tpu.memory_space<vmem_shared>>
      tpu.enqueue_dma source(%dma_start3A_134 : memref<640x64xbf16, #tpu.memory_space<vmem_shared>>) target(%dma_start3A_132 : memref<640x64xbf16, #tpu.memory_space<hbm>>) target_semaphore(%run_scoped3A : memref<!tpu.dma_semaphore, #tpu.memory_space<semaphore_mem>>)
      %dma_wait3A_135 = arith.constant 0 : i32
      %dma_wait3A_136 = tpu.memref_slice %arg9[%add3A_0, %mul3A_37, %dma_wait3A_135] : memref<4x10240x64xbf16, #tpu.memory_space<hbm>> -> memref<1x640x64xbf16, #tpu.memory_space<hbm>>
      %dma_wait3A_137 = tpu.memref_squeeze %dma_wait3A_136 : memref<1x640x64xbf16, #tpu.memory_space<hbm>> -> memref<640x64xbf16, #tpu.memory_space<hbm>>
      %dma_wait3A_138 = arith.constant 0 : i32
      %dma_wait3A_139 = tpu.memref_slice %arg21[%mul3A_35, %dma_wait3A_138] : memref<10240x64xbf16, #tpu.memory_space<vmem_shared>> -> memref<640x64xbf16, #tpu.memory_space<vmem_shared>>
      tpu.wait_dma2 semaphore(%run_scoped3A : memref<!tpu.dma_semaphore, #tpu.memory_space<semaphore_mem>>) src(%dma_wait3A_139 : memref<640x64xbf16, #tpu.memory_space<vmem_shared>>) dst(%dma_wait3A_137 : memref<640x64xbf16, #tpu.memory_space<hbm>>)
      tpu.yield
    }) : () -> ()
    %barrier3A_38 = arith.constant 0 : index
    tpu.barrier barrier_id(%barrier3A_38)
    %add3A_39 = arith.constant 2 : i32
    %add3A_40 = arith.addi %add3A_39, %arg0 : i32
    "tpu.region"() ({
      %run_scoped3A = tpu.sem_alloc : memref<!tpu.dma_semaphore, #tpu.memory_space<semaphore_mem>>
      %dma_start3A_130 = arith.constant 0 : i32
      %dma_start3A_131 = arith.constant 0 : i32
      %dma_start3A_132 = tpu.memref_slice %arg3[%add3A_40, %arg1, %dma_start3A_130, %dma_start3A_131] : memref<4x16x40x256xi32, #tpu.memory_space<hbm>> -> memref<1x1x40x256xi32, #tpu.memory_space<hbm>>
      %dma_start3A_133 = tpu.memref_squeeze %dma_start3A_132 : memref<1x1x40x256xi32, #tpu.memory_space<hbm>> -> memref<40x256xi32, #tpu.memory_space<hbm>>
      %dma_start3A_134 = arith.constant 0 : i32
      %dma_start3A_135 = arith.constant 0 : i32
      %dma_start3A_136 = tpu.memref_slice %arg3[%add3A_40, %arg1, %dma_start3A_134, %dma_start3A_135] : memref<4x16x40x256xi32, #tpu.memory_space<hbm>> -> memref<1x1x40x256xi32, #tpu.memory_space<hbm>>
      %dma_start3A_137 = tpu.memref_squeeze %dma_start3A_136 : memref<1x1x40x256xi32, #tpu.memory_space<hbm>> -> memref<40x256xi32, #tpu.memory_space<hbm>>
      tpu.enqueue_dma source(%dma_start3A_137 : memref<40x256xi32, #tpu.memory_space<hbm>>) target(%arg11 : memref<40x256xi32, #tpu.memory_space<vmem>>) target_semaphore(%run_scoped3A : memref<!tpu.dma_semaphore, #tpu.memory_space<semaphore_mem>>)
      %dma_wait3A_138 = arith.constant 0 : i32
      %dma_wait3A_139 = arith.constant 0 : i32
      %dma_wait3A_140 = tpu.memref_slice %arg3[%add3A_40, %arg1, %dma_wait3A_138, %dma_wait3A_139] : memref<4x16x40x256xi32, #tpu.memory_space<hbm>> -> memref<1x1x40x256xi32, #tpu.memory_space<hbm>>
      %dma_wait3A_141 = tpu.memref_squeeze %dma_wait3A_140 : memref<1x1x40x256xi32, #tpu.memory_space<hbm>> -> memref<40x256xi32, #tpu.memory_space<hbm>>
      %dma_wait3A_142 = arith.constant 0 : i32
      %dma_wait3A_143 = arith.constant 0 : i32
      %dma_wait3A_144 = tpu.memref_slice %arg3[%add3A_40, %arg1, %dma_wait3A_142, %dma_wait3A_143] : memref<4x16x40x256xi32, #tpu.memory_space<hbm>> -> memref<1x1x40x256xi32, #tpu.memory_space<hbm>>
      %dma_wait3A_145 = tpu.memref_squeeze %dma_wait3A_144 : memref<1x1x40x256xi32, #tpu.memory_space<hbm>> -> memref<40x256xi32, #tpu.memory_space<hbm>>
      tpu.wait_dma2 semaphore(%run_scoped3A : memref<!tpu.dma_semaphore, #tpu.memory_space<semaphore_mem>>) src(%dma_wait3A_145 : memref<40x256xi32, #tpu.memory_space<hbm>>) dst(%arg11 : memref<40x256xi32, #tpu.memory_space<vmem>>)
      tpu.yield
    }) : () -> ()
    "tpu.region"() ({
      %run_scoped3A = tpu.sem_alloc : memref<!tpu.dma_semaphore, #tpu.memory_space<semaphore_mem>>
      %dma_start3A_130 = arith.constant 0 : i32
      %dma_start3A_131 = arith.constant 0 : i32
      %dma_start3A_132 = tpu.memref_slice %arg4[%arg1, %dma_start3A_130, %dma_start3A_131] : memref<16x40x256xi32, #tpu.memory_space<hbm>> -> memref<1x40x256xi32, #tpu.memory_space<hbm>>
      %dma_start3A_133 = tpu.memref_squeeze %dma_start3A_132 : memref<1x40x256xi32, #tpu.memory_space<hbm>> -> memref<40x256xi32, #tpu.memory_space<hbm>>
      %dma_start3A_134 = arith.constant 0 : i32
      %dma_start3A_135 = arith.constant 0 : i32
      %dma_start3A_136 = tpu.memref_slice %arg4[%arg1, %dma_start3A_134, %dma_start3A_135] : memref<16x40x256xi32, #tpu.memory_space<hbm>> -> memref<1x40x256xi32, #tpu.memory_space<hbm>>
      %dma_start3A_137 = tpu.memref_squeeze %dma_start3A_136 : memref<1x40x256xi32, #tpu.memory_space<hbm>> -> memref<40x256xi32, #tpu.memory_space<hbm>>
      tpu.enqueue_dma source(%dma_start3A_137 : memref<40x256xi32, #tpu.memory_space<hbm>>) target(%arg12 : memref<40x256xi32, #tpu.memory_space<vmem>>) target_semaphore(%run_scoped3A : memref<!tpu.dma_semaphore, #tpu.memory_space<semaphore_mem>>)
      %dma_wait3A_138 = arith.constant 0 : i32
      %dma_wait3A_139 = arith.constant 0 : i32
      %dma_wait3A_140 = tpu.memref_slice %arg4[%arg1, %dma_wait3A_138, %dma_wait3A_139] : memref<16x40x256xi32, #tpu.memory_space<hbm>> -> memref<1x40x256xi32, #tpu.memory_space<hbm>>
      %dma_wait3A_141 = tpu.memref_squeeze %dma_wait3A_140 : memref<1x40x256xi32, #tpu.memory_space<hbm>> -> memref<40x256xi32, #tpu.memory_space<hbm>>
      %dma_wait3A_142 = arith.constant 0 : i32
      %dma_wait3A_143 = arith.constant 0 : i32
      %dma_wait3A_144 = tpu.memref_slice %arg4[%arg1, %dma_wait3A_142, %dma_wait3A_143] : memref<16x40x256xi32, #tpu.memory_space<hbm>> -> memref<1x40x256xi32, #tpu.memory_space<hbm>>
      %dma_wait3A_145 = tpu.memref_squeeze %dma_wait3A_144 : memref<1x40x256xi32, #tpu.memory_space<hbm>> -> memref<40x256xi32, #tpu.memory_space<hbm>>
      tpu.wait_dma2 semaphore(%run_scoped3A : memref<!tpu.dma_semaphore, #tpu.memory_space<semaphore_mem>>) src(%dma_wait3A_145 : memref<40x256xi32, #tpu.memory_space<hbm>>) dst(%arg12 : memref<40x256xi32, #tpu.memory_space<vmem>>)
      tpu.yield
    }) : () -> ()
    %mul3A_41 = arith.constant 640 : i32
    %mul3A_42 = arith.muli %arg1, %mul3A_41 : i32
    "tpu.region"() ({
      %run_scoped3A = tpu.sem_alloc : memref<!tpu.dma_semaphore, #tpu.memory_space<semaphore_mem>>
      %dma_start3A_130 = arith.constant 0 : i32
      %dma_start3A_131 = tpu.memref_slice %arg21[%mul3A_42, %dma_start3A_130] : memref<10240x64xbf16, #tpu.memory_space<vmem_shared>> -> memref<640x64xbf16, #tpu.memory_space<vmem_shared>>
      tpu.enqueue_dma source(%arg7 : memref<640x64xbf16, #tpu.memory_space<hbm>>) target(%dma_start3A_131 : memref<640x64xbf16, #tpu.memory_space<vmem_shared>>) target_semaphore(%run_scoped3A : memref<!tpu.dma_semaphore, #tpu.memory_space<semaphore_mem>>)
      %dma_wait3A_132 = arith.constant 0 : i32
      %dma_wait3A_133 = tpu.memref_slice %arg21[%mul3A_42, %dma_wait3A_132] : memref<10240x64xbf16, #tpu.memory_space<vmem_shared>> -> memref<640x64xbf16, #tpu.memory_space<vmem_shared>>
      tpu.wait_dma2 semaphore(%run_scoped3A : memref<!tpu.dma_semaphore, #tpu.memory_space<semaphore_mem>>) src(%arg7 : memref<640x64xbf16, #tpu.memory_space<hbm>>) dst(%dma_wait3A_133 : memref<640x64xbf16, #tpu.memory_space<vmem_shared>>)
      tpu.yield
    }) : () -> ()
    %barrier3A_43 = arith.constant 0 : index
    tpu.barrier barrier_id(%barrier3A_43)
    %dma_start3A_44 = arith.constant 0 : i32
    %dma_start3A_45 = arith.constant 0 : i32
    %dma_start3A_46 = tpu.memref_slice %arg11[%dma_start3A_44, %dma_start3A_45] : memref<40x256xi32, #tpu.memory_space<vmem>> -> memref<1x256xi32, #tpu.memory_space<vmem>>
    %dma_start3A_47 = tpu.memref_squeeze %dma_start3A_46 : memref<1x256xi32, #tpu.memory_space<vmem>> -> memref<256xi32, #tpu.memory_space<vmem>>
    %dma_start3A_48 = arith.constant 0 : i32
    %dma_start3A_49 = arith.constant 0 : i32
    %dma_start3A_50 = tpu.memref_slice %arg2[%dma_start3A_48, %dma_start3A_49] : memref<40000x64xbf16, #tpu.memory_space<hbm>> -> memref<40000x64xbf16, #tpu.memory_space<hbm>>
    tpu.enqueue_indirect_dma source(%dma_start3A_50 : memref<40000x64xbf16, #tpu.memory_space<hbm>>) target(%arg13 : memref<256x64xbf16, #tpu.memory_space<vmem>>) offsets(%dma_start3A_47 : memref<256xi32, #tpu.memory_space<vmem>>) semaphore(%arg23 : memref<!tpu.dma_semaphore, #tpu.memory_space<semaphore_mem>>)
    %dma_start3A_51 = arith.constant 1 : i32
    %dma_start3A_52 = arith.constant 0 : i32
    %dma_start3A_53 = tpu.memref_slice %arg11[%dma_start3A_51, %dma_start3A_52] : memref<40x256xi32, #tpu.memory_space<vmem>> -> memref<1x256xi32, #tpu.memory_space<vmem>>
    %dma_start3A_54 = tpu.memref_squeeze %dma_start3A_53 : memref<1x256xi32, #tpu.memory_space<vmem>> -> memref<256xi32, #tpu.memory_space<vmem>>
    %dma_start3A_55 = arith.constant 0 : i32
    %dma_start3A_56 = arith.constant 0 : i32
    %dma_start3A_57 = tpu.memref_slice %arg2[%dma_start3A_55, %dma_start3A_56] : memref<40000x64xbf16, #tpu.memory_space<hbm>> -> memref<40000x64xbf16, #tpu.memory_space<hbm>>
    tpu.enqueue_indirect_dma source(%dma_start3A_57 : memref<40000x64xbf16, #tpu.memory_space<hbm>>) target(%arg14 : memref<256x64xbf16, #tpu.memory_space<vmem>>) offsets(%dma_start3A_54 : memref<256xi32, #tpu.memory_space<vmem>>) semaphore(%arg24 : memref<!tpu.dma_semaphore, #tpu.memory_space<semaphore_mem>>)
    %scan3A_58 = arith.constant 0 : i32
    %scan3A_59 = arith.constant 0 : i32
    %scan3A_60 = arith.constant 10 : i32
    %scan3A_61 = arith.addi %scan3A_59, %scan3A_60 : i32
    %scan3A_62 = arith.constant 1 : i32
    scf.for %scan3A_130 = %scan3A_59 to %scan3A_61 step %scan3A_62  : i32 {
      %mul3A_131 = arith.constant 4 : i32
      %mul3A_132 = arith.muli %scan3A_130, %mul3A_131 : i32
      %add3A_133 = arith.constant 0 : i32
      %add3A_134 = arith.addi %mul3A_132, %add3A_133 : i32
      %ge3A = arith.constant 2 : i32
      %ge3A_135 = arith.cmpi sge, %add3A_134, %ge3A : i32
      %convert_element_type3A = arith.extui %ge3A_135 : i1 to i32
      %cond3A = arith.constant 0 : i32
      %cond3A_136 = arith.cmpi ne, %convert_element_type3A, %cond3A : i32
      scf.if %cond3A_136 {
        %sub3A = arith.constant 2 : i32
        %sub3A_233 = arith.subi %add3A_134, %sub3A : i32
        %dma_wait3A_234 = arith.constant 0 : i32
        %dma_wait3A_235 = tpu.memref_slice %arg12[%sub3A_233, %dma_wait3A_234] : memref<40x256xi32, #tpu.memory_space<vmem>> -> memref<1x256xi32, #tpu.memory_space<vmem>>
        %dma_wait3A_236 = tpu.memref_squeeze %dma_wait3A_235 : memref<1x256xi32, #tpu.memory_space<vmem>> -> memref<256xi32, #tpu.memory_space<vmem>>
        %dma_wait3A_237 = arith.constant 0 : i32
        %dma_wait3A_238 = arith.constant 0 : i32
        %dma_wait3A_239 = tpu.memref_slice %arg21[%dma_wait3A_237, %dma_wait3A_238] : memref<10240x64xbf16, #tpu.memory_space<vmem_shared>> -> memref<10240x64xbf16, #tpu.memory_space<vmem_shared>>
        tpu.wait_indirect_dma semaphore(%arg29 : memref<!tpu.dma_semaphore, #tpu.memory_space<semaphore_mem>>) src(%arg15 : memref<256x64xbf16, #tpu.memory_space<vmem>>) dst(%dma_wait3A_239 : memref<10240x64xbf16, #tpu.memory_space<vmem_shared>>)
      } else {
      }
      %add3A_137 = arith.constant 2 : i32
      %add3A_138 = arith.addi %add3A_134, %add3A_137 : i32
      %lt3A = arith.constant 40 : i32
      %lt3A_139 = arith.cmpi slt, %add3A_138, %lt3A : i32
      %convert_element_type3A_140 = arith.extui %lt3A_139 : i1 to i32
      %cond3A_141 = arith.constant 0 : i32
      %cond3A_142 = arith.cmpi ne, %convert_element_type3A_140, %cond3A_141 : i32
      scf.if %cond3A_142 {
        %add3A_233 = arith.constant 2 : i32
        %add3A_234 = arith.addi %add3A_134, %add3A_233 : i32
        %dma_start3A_235 = arith.constant 0 : i32
        %dma_start3A_236 = tpu.memref_slice %arg11[%add3A_234, %dma_start3A_235] : memref<40x256xi32, #tpu.memory_space<vmem>> -> memref<1x256xi32, #tpu.memory_space<vmem>>
        %dma_start3A_237 = tpu.memref_squeeze %dma_start3A_236 : memref<1x256xi32, #tpu.memory_space<vmem>> -> memref<256xi32, #tpu.memory_space<vmem>>
        %dma_start3A_238 = arith.constant 0 : i32
        %dma_start3A_239 = arith.constant 0 : i32
        %dma_start3A_240 = tpu.memref_slice %arg2[%dma_start3A_238, %dma_start3A_239] : memref<40000x64xbf16, #tpu.memory_space<hbm>> -> memref<40000x64xbf16, #tpu.memory_space<hbm>>
        tpu.enqueue_indirect_dma source(%dma_start3A_240 : memref<40000x64xbf16, #tpu.memory_space<hbm>>) target(%arg15 : memref<256x64xbf16, #tpu.memory_space<vmem>>) offsets(%dma_start3A_237 : memref<256xi32, #tpu.memory_space<vmem>>) semaphore(%arg25 : memref<!tpu.dma_semaphore, #tpu.memory_space<semaphore_mem>>)
      } else {
      }
      %dma_wait3A_143 = arith.constant 0 : i32
      %dma_wait3A_144 = tpu.memref_slice %arg11[%add3A_134, %dma_wait3A_143] : memref<40x256xi32, #tpu.memory_space<vmem>> -> memref<1x256xi32, #tpu.memory_space<vmem>>
      %dma_wait3A_145 = tpu.memref_squeeze %dma_wait3A_144 : memref<1x256xi32, #tpu.memory_space<vmem>> -> memref<256xi32, #tpu.memory_space<vmem>>
      %dma_wait3A_146 = arith.constant 0 : i32
      %dma_wait3A_147 = arith.constant 0 : i32
      %dma_wait3A_148 = tpu.memref_slice %arg2[%dma_wait3A_146, %dma_wait3A_147] : memref<40000x64xbf16, #tpu.memory_space<hbm>> -> memref<40000x64xbf16, #tpu.memory_space<hbm>>
      tpu.wait_indirect_dma semaphore(%arg23 : memref<!tpu.dma_semaphore, #tpu.memory_space<semaphore_mem>>) src(%dma_wait3A_148 : memref<40000x64xbf16, #tpu.memory_space<hbm>>) dst(%arg13 : memref<256x64xbf16, #tpu.memory_space<vmem>>)
      %dma_start3A_149 = arith.constant 0 : i32
      %dma_start3A_150 = tpu.memref_slice %arg12[%add3A_134, %dma_start3A_149] : memref<40x256xi32, #tpu.memory_space<vmem>> -> memref<1x256xi32, #tpu.memory_space<vmem>>
      %dma_start3A_151 = tpu.memref_squeeze %dma_start3A_150 : memref<1x256xi32, #tpu.memory_space<vmem>> -> memref<256xi32, #tpu.memory_space<vmem>>
      %dma_start3A_152 = arith.constant 0 : i32
      %dma_start3A_153 = arith.constant 0 : i32
      %dma_start3A_154 = tpu.memref_slice %arg21[%dma_start3A_152, %dma_start3A_153] : memref<10240x64xbf16, #tpu.memory_space<vmem_shared>> -> memref<10240x64xbf16, #tpu.memory_space<vmem_shared>>
      tpu.enqueue_indirect_dma source(%arg13 : memref<256x64xbf16, #tpu.memory_space<vmem>>) target(%dma_start3A_154 : memref<10240x64xbf16, #tpu.memory_space<vmem_shared>>) offsets(%dma_start3A_151 : memref<256xi32, #tpu.memory_space<vmem>>) semaphore(%arg27 : memref<!tpu.dma_semaphore, #tpu.memory_space<semaphore_mem>>) {add = true}
      %add3A_155 = arith.constant 1 : i32
      %add3A_156 = arith.addi %mul3A_132, %add3A_155 : i32
      %ge3A_157 = arith.constant 2 : i32
      %ge3A_158 = arith.cmpi sge, %add3A_156, %ge3A_157 : i32
      %convert_element_type3A_159 = arith.extui %ge3A_158 : i1 to i32
      %cond3A_160 = arith.constant 0 : i32
      %cond3A_161 = arith.cmpi ne, %convert_element_type3A_159, %cond3A_160 : i32
      scf.if %cond3A_161 {
        %sub3A = arith.constant 2 : i32
        %sub3A_233 = arith.subi %add3A_156, %sub3A : i32
        %dma_wait3A_234 = arith.constant 0 : i32
        %dma_wait3A_235 = tpu.memref_slice %arg12[%sub3A_233, %dma_wait3A_234] : memref<40x256xi32, #tpu.memory_space<vmem>> -> memref<1x256xi32, #tpu.memory_space<vmem>>
        %dma_wait3A_236 = tpu.memref_squeeze %dma_wait3A_235 : memref<1x256xi32, #tpu.memory_space<vmem>> -> memref<256xi32, #tpu.memory_space<vmem>>
        %dma_wait3A_237 = arith.constant 0 : i32
        %dma_wait3A_238 = arith.constant 0 : i32
        %dma_wait3A_239 = tpu.memref_slice %arg21[%dma_wait3A_237, %dma_wait3A_238] : memref<10240x64xbf16, #tpu.memory_space<vmem_shared>> -> memref<10240x64xbf16, #tpu.memory_space<vmem_shared>>
        tpu.wait_indirect_dma semaphore(%arg30 : memref<!tpu.dma_semaphore, #tpu.memory_space<semaphore_mem>>) src(%arg16 : memref<256x64xbf16, #tpu.memory_space<vmem>>) dst(%dma_wait3A_239 : memref<10240x64xbf16, #tpu.memory_space<vmem_shared>>)
      } else {
      }
      %add3A_162 = arith.constant 2 : i32
      %add3A_163 = arith.addi %add3A_156, %add3A_162 : i32
      %lt3A_164 = arith.constant 40 : i32
      %lt3A_165 = arith.cmpi slt, %add3A_163, %lt3A_164 : i32
      %convert_element_type3A_166 = arith.extui %lt3A_165 : i1 to i32
      %cond3A_167 = arith.constant 0 : i32
      %cond3A_168 = arith.cmpi ne, %convert_element_type3A_166, %cond3A_167 : i32
      scf.if %cond3A_168 {
        %add3A_233 = arith.constant 2 : i32
        %add3A_234 = arith.addi %add3A_156, %add3A_233 : i32
        %dma_start3A_235 = arith.constant 0 : i32
        %dma_start3A_236 = tpu.memref_slice %arg11[%add3A_234, %dma_start3A_235] : memref<40x256xi32, #tpu.memory_space<vmem>> -> memref<1x256xi32, #tpu.memory_space<vmem>>
        %dma_start3A_237 = tpu.memref_squeeze %dma_start3A_236 : memref<1x256xi32, #tpu.memory_space<vmem>> -> memref<256xi32, #tpu.memory_space<vmem>>
        %dma_start3A_238 = arith.constant 0 : i32
        %dma_start3A_239 = arith.constant 0 : i32
        %dma_start3A_240 = tpu.memref_slice %arg2[%dma_start3A_238, %dma_start3A_239] : memref<40000x64xbf16, #tpu.memory_space<hbm>> -> memref<40000x64xbf16, #tpu.memory_space<hbm>>
        tpu.enqueue_indirect_dma source(%dma_start3A_240 : memref<40000x64xbf16, #tpu.memory_space<hbm>>) target(%arg16 : memref<256x64xbf16, #tpu.memory_space<vmem>>) offsets(%dma_start3A_237 : memref<256xi32, #tpu.memory_space<vmem>>) semaphore(%arg26 : memref<!tpu.dma_semaphore, #tpu.memory_space<semaphore_mem>>)
      } else {
      }
      %dma_wait3A_169 = arith.constant 0 : i32
      %dma_wait3A_170 = tpu.memref_slice %arg11[%add3A_156, %dma_wait3A_169] : memref<40x256xi32, #tpu.memory_space<vmem>> -> memref<1x256xi32, #tpu.memory_space<vmem>>
      %dma_wait3A_171 = tpu.memref_squeeze %dma_wait3A_170 : memref<1x256xi32, #tpu.memory_space<vmem>> -> memref<256xi32, #tpu.memory_space<vmem>>
      %dma_wait3A_172 = arith.constant 0 : i32
      %dma_wait3A_173 = arith.constant 0 : i32
      %dma_wait3A_174 = tpu.memref_slice %arg2[%dma_wait3A_172, %dma_wait3A_173] : memref<40000x64xbf16, #tpu.memory_space<hbm>> -> memref<40000x64xbf16, #tpu.memory_space<hbm>>
      tpu.wait_indirect_dma semaphore(%arg24 : memref<!tpu.dma_semaphore, #tpu.memory_space<semaphore_mem>>) src(%dma_wait3A_174 : memref<40000x64xbf16, #tpu.memory_space<hbm>>) dst(%arg14 : memref<256x64xbf16, #tpu.memory_space<vmem>>)
      %dma_start3A_175 = arith.constant 0 : i32
      %dma_start3A_176 = tpu.memref_slice %arg12[%add3A_156, %dma_start3A_175] : memref<40x256xi32, #tpu.memory_space<vmem>> -> memref<1x256xi32, #tpu.memory_space<vmem>>
      %dma_start3A_177 = tpu.memref_squeeze %dma_start3A_176 : memref<1x256xi32, #tpu.memory_space<vmem>> -> memref<256xi32, #tpu.memory_space<vmem>>
      %dma_start3A_178 = arith.constant 0 : i32
      %dma_start3A_179 = arith.constant 0 : i32
      %dma_start3A_180 = tpu.memref_slice %arg21[%dma_start3A_178, %dma_start3A_179] : memref<10240x64xbf16, #tpu.memory_space<vmem_shared>> -> memref<10240x64xbf16, #tpu.memory_space<vmem_shared>>
      tpu.enqueue_indirect_dma source(%arg14 : memref<256x64xbf16, #tpu.memory_space<vmem>>) target(%dma_start3A_180 : memref<10240x64xbf16, #tpu.memory_space<vmem_shared>>) offsets(%dma_start3A_177 : memref<256xi32, #tpu.memory_space<vmem>>) semaphore(%arg28 : memref<!tpu.dma_semaphore, #tpu.memory_space<semaphore_mem>>) {add = true}
      %add3A_181 = arith.constant 2 : i32
      %add3A_182 = arith.addi %mul3A_132, %add3A_181 : i32
      %ge3A_183 = arith.constant 2 : i32
      %ge3A_184 = arith.cmpi sge, %add3A_182, %ge3A_183 : i32
      %convert_element_type3A_185 = arith.extui %ge3A_184 : i1 to i32
      %cond3A_186 = arith.constant 0 : i32
      %cond3A_187 = arith.cmpi ne, %convert_element_type3A_185, %cond3A_186 : i32
      scf.if %cond3A_187 {
        %sub3A = arith.constant 2 : i32
        %sub3A_233 = arith.subi %add3A_182, %sub3A : i32
        %dma_wait3A_234 = arith.constant 0 : i32
        %dma_wait3A_235 = tpu.memref_slice %arg12[%sub3A_233, %dma_wait3A_234] : memref<40x256xi32, #tpu.memory_space<vmem>> -> memref<1x256xi32, #tpu.memory_space<vmem>>
        %dma_wait3A_236 = tpu.memref_squeeze %dma_wait3A_235 : memref<1x256xi32, #tpu.memory_space<vmem>> -> memref<256xi32, #tpu.memory_space<vmem>>
        %dma_wait3A_237 = arith.constant 0 : i32
        %dma_wait3A_238 = arith.constant 0 : i32
        %dma_wait3A_239 = tpu.memref_slice %arg21[%dma_wait3A_237, %dma_wait3A_238] : memref<10240x64xbf16, #tpu.memory_space<vmem_shared>> -> memref<10240x64xbf16, #tpu.memory_space<vmem_shared>>
        tpu.wait_indirect_dma semaphore(%arg27 : memref<!tpu.dma_semaphore, #tpu.memory_space<semaphore_mem>>) src(%arg13 : memref<256x64xbf16, #tpu.memory_space<vmem>>) dst(%dma_wait3A_239 : memref<10240x64xbf16, #tpu.memory_space<vmem_shared>>)
      } else {
      }
      %add3A_188 = arith.constant 2 : i32
      %add3A_189 = arith.addi %add3A_182, %add3A_188 : i32
      %lt3A_190 = arith.constant 40 : i32
      %lt3A_191 = arith.cmpi slt, %add3A_189, %lt3A_190 : i32
      %convert_element_type3A_192 = arith.extui %lt3A_191 : i1 to i32
      %cond3A_193 = arith.constant 0 : i32
      %cond3A_194 = arith.cmpi ne, %convert_element_type3A_192, %cond3A_193 : i32
      scf.if %cond3A_194 {
        %add3A_233 = arith.constant 2 : i32
        %add3A_234 = arith.addi %add3A_182, %add3A_233 : i32
        %dma_start3A_235 = arith.constant 0 : i32
        %dma_start3A_236 = tpu.memref_slice %arg11[%add3A_234, %dma_start3A_235] : memref<40x256xi32, #tpu.memory_space<vmem>> -> memref<1x256xi32, #tpu.memory_space<vmem>>
        %dma_start3A_237 = tpu.memref_squeeze %dma_start3A_236 : memref<1x256xi32, #tpu.memory_space<vmem>> -> memref<256xi32, #tpu.memory_space<vmem>>
        %dma_start3A_238 = arith.constant 0 : i32
        %dma_start3A_239 = arith.constant 0 : i32
        %dma_start3A_240 = tpu.memref_slice %arg2[%dma_start3A_238, %dma_start3A_239] : memref<40000x64xbf16, #tpu.memory_space<hbm>> -> memref<40000x64xbf16, #tpu.memory_space<hbm>>
        tpu.enqueue_indirect_dma source(%dma_start3A_240 : memref<40000x64xbf16, #tpu.memory_space<hbm>>) target(%arg13 : memref<256x64xbf16, #tpu.memory_space<vmem>>) offsets(%dma_start3A_237 : memref<256xi32, #tpu.memory_space<vmem>>) semaphore(%arg23 : memref<!tpu.dma_semaphore, #tpu.memory_space<semaphore_mem>>)
      } else {
      }
      %dma_wait3A_195 = arith.constant 0 : i32
      %dma_wait3A_196 = tpu.memref_slice %arg11[%add3A_182, %dma_wait3A_195] : memref<40x256xi32, #tpu.memory_space<vmem>> -> memref<1x256xi32, #tpu.memory_space<vmem>>
      %dma_wait3A_197 = tpu.memref_squeeze %dma_wait3A_196 : memref<1x256xi32, #tpu.memory_space<vmem>> -> memref<256xi32, #tpu.memory_space<vmem>>
      %dma_wait3A_198 = arith.constant 0 : i32
      %dma_wait3A_199 = arith.constant 0 : i32
      %dma_wait3A_200 = tpu.memref_slice %arg2[%dma_wait3A_198, %dma_wait3A_199] : memref<40000x64xbf16, #tpu.memory_space<hbm>> -> memref<40000x64xbf16, #tpu.memory_space<hbm>>
      tpu.wait_indirect_dma semaphore(%arg25 : memref<!tpu.dma_semaphore, #tpu.memory_space<semaphore_mem>>) src(%dma_wait3A_200 : memref<40000x64xbf16, #tpu.memory_space<hbm>>) dst(%arg15 : memref<256x64xbf16, #tpu.memory_space<vmem>>)
      %dma_start3A_201 = arith.constant 0 : i32
      %dma_start3A_202 = tpu.memref_slice %arg12[%add3A_182, %dma_start3A_201] : memref<40x256xi32, #tpu.memory_space<vmem>> -> memref<1x256xi32, #tpu.memory_space<vmem>>
      %dma_start3A_203 = tpu.memref_squeeze %dma_start3A_202 : memref<1x256xi32, #tpu.memory_space<vmem>> -> memref<256xi32, #tpu.memory_space<vmem>>
      %dma_start3A_204 = arith.constant 0 : i32
      %dma_start3A_205 = arith.constant 0 : i32
      %dma_start3A_206 = tpu.memref_slice %arg21[%dma_start3A_204, %dma_start3A_205] : memref<10240x64xbf16, #tpu.memory_space<vmem_shared>> -> memref<10240x64xbf16, #tpu.memory_space<vmem_shared>>
      tpu.enqueue_indirect_dma source(%arg15 : memref<256x64xbf16, #tpu.memory_space<vmem>>) target(%dma_start3A_206 : memref<10240x64xbf16, #tpu.memory_space<vmem_shared>>) offsets(%dma_start3A_203 : memref<256xi32, #tpu.memory_space<vmem>>) semaphore(%arg29 : memref<!tpu.dma_semaphore, #tpu.memory_space<semaphore_mem>>) {add = true}
      %add3A_207 = arith.constant 3 : i32
      %add3A_208 = arith.addi %mul3A_132, %add3A_207 : i32
      %ge3A_209 = arith.constant 2 : i32
      %ge3A_210 = arith.cmpi sge, %add3A_208, %ge3A_209 : i32
      %convert_element_type3A_211 = arith.extui %ge3A_210 : i1 to i32
      %cond3A_212 = arith.constant 0 : i32
      %cond3A_213 = arith.cmpi ne, %convert_element_type3A_211, %cond3A_212 : i32
      scf.if %cond3A_213 {
        %sub3A = arith.constant 2 : i32
        %sub3A_233 = arith.subi %add3A_208, %sub3A : i32
        %dma_wait3A_234 = arith.constant 0 : i32
        %dma_wait3A_235 = tpu.memref_slice %arg12[%sub3A_233, %dma_wait3A_234] : memref<40x256xi32, #tpu.memory_space<vmem>> -> memref<1x256xi32, #tpu.memory_space<vmem>>
        %dma_wait3A_236 = tpu.memref_squeeze %dma_wait3A_235 : memref<1x256xi32, #tpu.memory_space<vmem>> -> memref<256xi32, #tpu.memory_space<vmem>>
        %dma_wait3A_237 = arith.constant 0 : i32
        %dma_wait3A_238 = arith.constant 0 : i32
        %dma_wait3A_239 = tpu.memref_slice %arg21[%dma_wait3A_237, %dma_wait3A_238] : memref<10240x64xbf16, #tpu.memory_space<vmem_shared>> -> memref<10240x64xbf16, #tpu.memory_space<vmem_shared>>
        tpu.wait_indirect_dma semaphore(%arg28 : memref<!tpu.dma_semaphore, #tpu.memory_space<semaphore_mem>>) src(%arg14 : memref<256x64xbf16, #tpu.memory_space<vmem>>) dst(%dma_wait3A_239 : memref<10240x64xbf16, #tpu.memory_space<vmem_shared>>)
      } else {
      }
      %add3A_214 = arith.constant 2 : i32
      %add3A_215 = arith.addi %add3A_208, %add3A_214 : i32
      %lt3A_216 = arith.constant 40 : i32
      %lt3A_217 = arith.cmpi slt, %add3A_215, %lt3A_216 : i32
      %convert_element_type3A_218 = arith.extui %lt3A_217 : i1 to i32
      %cond3A_219 = arith.constant 0 : i32
      %cond3A_220 = arith.cmpi ne, %convert_element_type3A_218, %cond3A_219 : i32
      scf.if %cond3A_220 {
        %add3A_233 = arith.constant 2 : i32
        %add3A_234 = arith.addi %add3A_208, %add3A_233 : i32
        %dma_start3A_235 = arith.constant 0 : i32
        %dma_start3A_236 = tpu.memref_slice %arg11[%add3A_234, %dma_start3A_235] : memref<40x256xi32, #tpu.memory_space<vmem>> -> memref<1x256xi32, #tpu.memory_space<vmem>>
        %dma_start3A_237 = tpu.memref_squeeze %dma_start3A_236 : memref<1x256xi32, #tpu.memory_space<vmem>> -> memref<256xi32, #tpu.memory_space<vmem>>
        %dma_start3A_238 = arith.constant 0 : i32
        %dma_start3A_239 = arith.constant 0 : i32
        %dma_start3A_240 = tpu.memref_slice %arg2[%dma_start3A_238, %dma_start3A_239] : memref<40000x64xbf16, #tpu.memory_space<hbm>> -> memref<40000x64xbf16, #tpu.memory_space<hbm>>
        tpu.enqueue_indirect_dma source(%dma_start3A_240 : memref<40000x64xbf16, #tpu.memory_space<hbm>>) target(%arg14 : memref<256x64xbf16, #tpu.memory_space<vmem>>) offsets(%dma_start3A_237 : memref<256xi32, #tpu.memory_space<vmem>>) semaphore(%arg24 : memref<!tpu.dma_semaphore, #tpu.memory_space<semaphore_mem>>)
      } else {
      }
      %dma_wait3A_221 = arith.constant 0 : i32
      %dma_wait3A_222 = tpu.memref_slice %arg11[%add3A_208, %dma_wait3A_221] : memref<40x256xi32, #tpu.memory_space<vmem>> -> memref<1x256xi32, #tpu.memory_space<vmem>>
      %dma_wait3A_223 = tpu.memref_squeeze %dma_wait3A_222 : memref<1x256xi32, #tpu.memory_space<vmem>> -> memref<256xi32, #tpu.memory_space<vmem>>
      %dma_wait3A_224 = arith.constant 0 : i32
      %dma_wait3A_225 = arith.constant 0 : i32
      %dma_wait3A_226 = tpu.memref_slice %arg2[%dma_wait3A_224, %dma_wait3A_225] : memref<40000x64xbf16, #tpu.memory_space<hbm>> -> memref<40000x64xbf16, #tpu.memory_space<hbm>>
      tpu.wait_indirect_dma semaphore(%arg26 : memref<!tpu.dma_semaphore, #tpu.memory_space<semaphore_mem>>) src(%dma_wait3A_226 : memref<40000x64xbf16, #tpu.memory_space<hbm>>) dst(%arg16 : memref<256x64xbf16, #tpu.memory_space<vmem>>)
      %dma_start3A_227 = arith.constant 0 : i32
      %dma_start3A_228 = tpu.memref_slice %arg12[%add3A_208, %dma_start3A_227] : memref<40x256xi32, #tpu.memory_space<vmem>> -> memref<1x256xi32, #tpu.memory_space<vmem>>
      %dma_start3A_229 = tpu.memref_squeeze %dma_start3A_228 : memref<1x256xi32, #tpu.memory_space<vmem>> -> memref<256xi32, #tpu.memory_space<vmem>>
      %dma_start3A_230 = arith.constant 0 : i32
      %dma_start3A_231 = arith.constant 0 : i32
      %dma_start3A_232 = tpu.memref_slice %arg21[%dma_start3A_230, %dma_start3A_231] : memref<10240x64xbf16, #tpu.memory_space<vmem_shared>> -> memref<10240x64xbf16, #tpu.memory_space<vmem_shared>>
      tpu.enqueue_indirect_dma source(%arg16 : memref<256x64xbf16, #tpu.memory_space<vmem>>) target(%dma_start3A_232 : memref<10240x64xbf16, #tpu.memory_space<vmem_shared>>) offsets(%dma_start3A_229 : memref<256xi32, #tpu.memory_space<vmem>>) semaphore(%arg30 : memref<!tpu.dma_semaphore, #tpu.memory_space<semaphore_mem>>) {add = true}
    }
    %scan3A_63 = arith.constant 10 : i32
    %dma_wait3A_64 = arith.constant 38 : i32
    %dma_wait3A_65 = arith.constant 0 : i32
    %dma_wait3A_66 = tpu.memref_slice %arg12[%dma_wait3A_64, %dma_wait3A_65] : memref<40x256xi32, #tpu.memory_space<vmem>> -> memref<1x256xi32, #tpu.memory_space<vmem>>
    %dma_wait3A_67 = tpu.memref_squeeze %dma_wait3A_66 : memref<1x256xi32, #tpu.memory_space<vmem>> -> memref<256xi32, #tpu.memory_space<vmem>>
    %dma_wait3A_68 = arith.constant 0 : i32
    %dma_wait3A_69 = arith.constant 0 : i32
    %dma_wait3A_70 = tpu.memref_slice %arg21[%dma_wait3A_68, %dma_wait3A_69] : memref<10240x64xbf16, #tpu.memory_space<vmem_shared>> -> memref<10240x64xbf16, #tpu.memory_space<vmem_shared>>
    tpu.wait_indirect_dma semaphore(%arg29 : memref<!tpu.dma_semaphore, #tpu.memory_space<semaphore_mem>>) src(%arg15 : memref<256x64xbf16, #tpu.memory_space<vmem>>) dst(%dma_wait3A_70 : memref<10240x64xbf16, #tpu.memory_space<vmem_shared>>)
    %dma_wait3A_71 = arith.constant 39 : i32
    %dma_wait3A_72 = arith.constant 0 : i32
    %dma_wait3A_73 = tpu.memref_slice %arg12[%dma_wait3A_71, %dma_wait3A_72] : memref<40x256xi32, #tpu.memory_space<vmem>> -> memref<1x256xi32, #tpu.memory_space<vmem>>
    %dma_wait3A_74 = tpu.memref_squeeze %dma_wait3A_73 : memref<1x256xi32, #tpu.memory_space<vmem>> -> memref<256xi32, #tpu.memory_space<vmem>>
    %dma_wait3A_75 = arith.constant 0 : i32
    %dma_wait3A_76 = arith.constant 0 : i32
    %dma_wait3A_77 = tpu.memref_slice %arg21[%dma_wait3A_75, %dma_wait3A_76] : memref<10240x64xbf16, #tpu.memory_space<vmem_shared>> -> memref<10240x64xbf16, #tpu.memory_space<vmem_shared>>
    tpu.wait_indirect_dma semaphore(%arg30 : memref<!tpu.dma_semaphore, #tpu.memory_space<semaphore_mem>>) src(%arg16 : memref<256x64xbf16, #tpu.memory_space<vmem>>) dst(%dma_wait3A_77 : memref<10240x64xbf16, #tpu.memory_space<vmem_shared>>)
    %barrier3A_78 = arith.constant 0 : index
    tpu.barrier barrier_id(%barrier3A_78)
    %mul3A_79 = arith.constant 640 : i32
    %mul3A_80 = arith.muli %arg1, %mul3A_79 : i32
    %mul3A_81 = arith.constant 640 : i32
    %mul3A_82 = arith.muli %arg1, %mul3A_81 : i32
    "tpu.region"() ({
      %run_scoped3A = tpu.sem_alloc : memref<!tpu.dma_semaphore, #tpu.memory_space<semaphore_mem>>
      %dma_start3A_130 = arith.constant 0 : i32
      %dma_start3A_131 = tpu.memref_slice %arg9[%add3A_40, %mul3A_82, %dma_start3A_130] : memref<4x10240x64xbf16, #tpu.memory_space<hbm>> -> memref<1x640x64xbf16, #tpu.memory_space<hbm>>
      %dma_start3A_132 = tpu.memref_squeeze %dma_start3A_131 : memref<1x640x64xbf16, #tpu.memory_space<hbm>> -> memref<640x64xbf16, #tpu.memory_space<hbm>>
      %dma_start3A_133 = arith.constant 0 : i32
      %dma_start3A_134 = tpu.memref_slice %arg21[%mul3A_80, %dma_start3A_133] : memref<10240x64xbf16, #tpu.memory_space<vmem_shared>> -> memref<640x64xbf16, #tpu.memory_space<vmem_shared>>
      tpu.enqueue_dma source(%dma_start3A_134 : memref<640x64xbf16, #tpu.memory_space<vmem_shared>>) target(%dma_start3A_132 : memref<640x64xbf16, #tpu.memory_space<hbm>>) target_semaphore(%run_scoped3A : memref<!tpu.dma_semaphore, #tpu.memory_space<semaphore_mem>>)
      %dma_wait3A_135 = arith.constant 0 : i32
      %dma_wait3A_136 = tpu.memref_slice %arg9[%add3A_40, %mul3A_82, %dma_wait3A_135] : memref<4x10240x64xbf16, #tpu.memory_space<hbm>> -> memref<1x640x64xbf16, #tpu.memory_space<hbm>>
      %dma_wait3A_137 = tpu.memref_squeeze %dma_wait3A_136 : memref<1x640x64xbf16, #tpu.memory_space<hbm>> -> memref<640x64xbf16, #tpu.memory_space<hbm>>
      %dma_wait3A_138 = arith.constant 0 : i32
      %dma_wait3A_139 = tpu.memref_slice %arg21[%mul3A_80, %dma_wait3A_138] : memref<10240x64xbf16, #tpu.memory_space<vmem_shared>> -> memref<640x64xbf16, #tpu.memory_space<vmem_shared>>
      tpu.wait_dma2 semaphore(%run_scoped3A : memref<!tpu.dma_semaphore, #tpu.memory_space<semaphore_mem>>) src(%dma_wait3A_139 : memref<640x64xbf16, #tpu.memory_space<vmem_shared>>) dst(%dma_wait3A_137 : memref<640x64xbf16, #tpu.memory_space<hbm>>)
      tpu.yield
    }) : () -> ()
    %barrier3A_83 = arith.constant 0 : index
    tpu.barrier barrier_id(%barrier3A_83)
    "tpu.region"() ({
      %run_scoped3A = tpu.sem_alloc : memref<!tpu.dma_semaphore, #tpu.memory_space<semaphore_mem>>
      %dma_start3A_130 = arith.constant 0 : i32
      %dma_start3A_131 = arith.constant 0 : i32
      %dma_start3A_132 = tpu.memref_slice %arg5[%arg1, %dma_start3A_130, %dma_start3A_131] : memref<16x40x256xi32, #tpu.memory_space<hbm>> -> memref<1x40x256xi32, #tpu.memory_space<hbm>>
      %dma_start3A_133 = tpu.memref_squeeze %dma_start3A_132 : memref<1x40x256xi32, #tpu.memory_space<hbm>> -> memref<40x256xi32, #tpu.memory_space<hbm>>
      %dma_start3A_134 = arith.constant 0 : i32
      %dma_start3A_135 = arith.constant 0 : i32
      %dma_start3A_136 = tpu.memref_slice %arg5[%arg1, %dma_start3A_134, %dma_start3A_135] : memref<16x40x256xi32, #tpu.memory_space<hbm>> -> memref<1x40x256xi32, #tpu.memory_space<hbm>>
      %dma_start3A_137 = tpu.memref_squeeze %dma_start3A_136 : memref<1x40x256xi32, #tpu.memory_space<hbm>> -> memref<40x256xi32, #tpu.memory_space<hbm>>
      tpu.enqueue_dma source(%dma_start3A_137 : memref<40x256xi32, #tpu.memory_space<hbm>>) target(%arg11 : memref<40x256xi32, #tpu.memory_space<vmem>>) target_semaphore(%run_scoped3A : memref<!tpu.dma_semaphore, #tpu.memory_space<semaphore_mem>>)
      %dma_wait3A_138 = arith.constant 0 : i32
      %dma_wait3A_139 = arith.constant 0 : i32
      %dma_wait3A_140 = tpu.memref_slice %arg5[%arg1, %dma_wait3A_138, %dma_wait3A_139] : memref<16x40x256xi32, #tpu.memory_space<hbm>> -> memref<1x40x256xi32, #tpu.memory_space<hbm>>
      %dma_wait3A_141 = tpu.memref_squeeze %dma_wait3A_140 : memref<1x40x256xi32, #tpu.memory_space<hbm>> -> memref<40x256xi32, #tpu.memory_space<hbm>>
      %dma_wait3A_142 = arith.constant 0 : i32
      %dma_wait3A_143 = arith.constant 0 : i32
      %dma_wait3A_144 = tpu.memref_slice %arg5[%arg1, %dma_wait3A_142, %dma_wait3A_143] : memref<16x40x256xi32, #tpu.memory_space<hbm>> -> memref<1x40x256xi32, #tpu.memory_space<hbm>>
      %dma_wait3A_145 = tpu.memref_squeeze %dma_wait3A_144 : memref<1x40x256xi32, #tpu.memory_space<hbm>> -> memref<40x256xi32, #tpu.memory_space<hbm>>
      tpu.wait_dma2 semaphore(%run_scoped3A : memref<!tpu.dma_semaphore, #tpu.memory_space<semaphore_mem>>) src(%dma_wait3A_145 : memref<40x256xi32, #tpu.memory_space<hbm>>) dst(%arg11 : memref<40x256xi32, #tpu.memory_space<vmem>>)
      tpu.yield
    }) : () -> ()
    %mul3A_84 = arith.constant 640 : i32
    %mul3A_85 = arith.muli %arg1, %mul3A_84 : i32
    "tpu.region"() ({
      %run_scoped3A = tpu.sem_alloc : memref<!tpu.dma_semaphore, #tpu.memory_space<semaphore_mem>>
      %dma_start3A_130 = arith.constant 0 : i32
      %dma_start3A_131 = tpu.memref_slice %arg22[%mul3A_85, %dma_start3A_130] : memref<10240x16xf32, #tpu.memory_space<vmem_shared>> -> memref<640x16xf32, #tpu.memory_space<vmem_shared>>
      tpu.enqueue_dma source(%arg8 : memref<640x16xf32, #tpu.memory_space<hbm>>) target(%dma_start3A_131 : memref<640x16xf32, #tpu.memory_space<vmem_shared>>) target_semaphore(%run_scoped3A : memref<!tpu.dma_semaphore, #tpu.memory_space<semaphore_mem>>)
      %dma_wait3A_132 = arith.constant 0 : i32
      %dma_wait3A_133 = tpu.memref_slice %arg22[%mul3A_85, %dma_wait3A_132] : memref<10240x16xf32, #tpu.memory_space<vmem_shared>> -> memref<640x16xf32, #tpu.memory_space<vmem_shared>>
      tpu.wait_dma2 semaphore(%run_scoped3A : memref<!tpu.dma_semaphore, #tpu.memory_space<semaphore_mem>>) src(%arg8 : memref<640x16xf32, #tpu.memory_space<hbm>>) dst(%dma_wait3A_133 : memref<640x16xf32, #tpu.memory_space<vmem_shared>>)
      tpu.yield
    }) : () -> ()
    %barrier3A_86 = arith.constant 0 : index
    tpu.barrier barrier_id(%barrier3A_86)
    %add3A_87 = arith.constant 0 : i32
    %add3A_88 = arith.addi %add3A_87, %arg0 : i32
    %dma_start3A_89 = arith.constant 0 : i32
    %dma_start3A_90 = tpu.memref_slice %arg11[%add3A_88, %dma_start3A_89] : memref<40x256xi32, #tpu.memory_space<vmem>> -> memref<1x256xi32, #tpu.memory_space<vmem>>
    %dma_start3A_91 = tpu.memref_squeeze %dma_start3A_90 : memref<1x256xi32, #tpu.memory_space<vmem>> -> memref<256xi32, #tpu.memory_space<vmem>>
    %dma_start3A_92 = arith.constant 0 : i32
    %dma_start3A_93 = arith.constant 0 : i32
    %dma_start3A_94 = tpu.memref_slice %arg6[%dma_start3A_92, %dma_start3A_93] : memref<2304x16xf32, #tpu.memory_space<hbm>> -> memref<2304x16xf32, #tpu.memory_space<hbm>>
    tpu.enqueue_indirect_dma source(%dma_start3A_94 : memref<2304x16xf32, #tpu.memory_space<hbm>>) target(%arg17 : memref<256x16xf32, #tpu.memory_space<vmem>>) offsets(%dma_start3A_91 : memref<256xi32, #tpu.memory_space<vmem>>) semaphore(%arg23 : memref<!tpu.dma_semaphore, #tpu.memory_space<semaphore_mem>>)
    %add3A_95 = arith.constant 2 : i32
    %add3A_96 = arith.addi %add3A_95, %arg0 : i32
    %dma_start3A_97 = arith.constant 0 : i32
    %dma_start3A_98 = tpu.memref_slice %arg11[%add3A_96, %dma_start3A_97] : memref<40x256xi32, #tpu.memory_space<vmem>> -> memref<1x256xi32, #tpu.memory_space<vmem>>
    %dma_start3A_99 = tpu.memref_squeeze %dma_start3A_98 : memref<1x256xi32, #tpu.memory_space<vmem>> -> memref<256xi32, #tpu.memory_space<vmem>>
    %dma_start3A_100 = arith.constant 0 : i32
    %dma_start3A_101 = arith.constant 0 : i32
    %dma_start3A_102 = tpu.memref_slice %arg6[%dma_start3A_100, %dma_start3A_101] : memref<2304x16xf32, #tpu.memory_space<hbm>> -> memref<2304x16xf32, #tpu.memory_space<hbm>>
    tpu.enqueue_indirect_dma source(%dma_start3A_102 : memref<2304x16xf32, #tpu.memory_space<hbm>>) target(%arg18 : memref<256x16xf32, #tpu.memory_space<vmem>>) offsets(%dma_start3A_99 : memref<256xi32, #tpu.memory_space<vmem>>) semaphore(%arg24 : memref<!tpu.dma_semaphore, #tpu.memory_space<semaphore_mem>>)
    %scan3A_103 = arith.constant 0 : i32
    %scan3A_104 = arith.constant 0 : i32
    %scan3A_105 = arith.constant 5 : i32
    %scan3A_106 = arith.addi %scan3A_104, %scan3A_105 : i32
    %scan3A_107 = arith.constant 1 : i32
    scf.for %scan3A_130 = %scan3A_104 to %scan3A_106 step %scan3A_107  : i32 {
      %mul3A_131 = arith.constant 4 : i32
      %mul3A_132 = arith.muli %scan3A_130, %mul3A_131 : i32
      %add3A_133 = arith.constant 0 : i32
      %add3A_134 = arith.addi %mul3A_132, %add3A_133 : i32
      %ge3A = arith.constant 2 : i32
      %ge3A_135 = arith.cmpi sge, %add3A_134, %ge3A : i32
      %convert_element_type3A = arith.extui %ge3A_135 : i1 to i32
      %cond3A = arith.constant 0 : i32
      %cond3A_136 = arith.cmpi ne, %convert_element_type3A, %cond3A : i32
      scf.if %cond3A_136 {
        %sub3A = arith.constant 2 : i32
        %sub3A_257 = arith.subi %add3A_134, %sub3A : i32
        %mul3A_258 = arith.constant 2 : i32
        %mul3A_259 = arith.muli %mul3A_258, %sub3A_257 : i32
        %add3A_260 = arith.addi %mul3A_259, %arg0 : i32
        %dma_wait3A_261 = arith.constant 0 : i32
        %dma_wait3A_262 = tpu.memref_slice %arg12[%add3A_260, %dma_wait3A_261] : memref<40x256xi32, #tpu.memory_space<vmem>> -> memref<1x256xi32, #tpu.memory_space<vmem>>
        %dma_wait3A_263 = tpu.memref_squeeze %dma_wait3A_262 : memref<1x256xi32, #tpu.memory_space<vmem>> -> memref<256xi32, #tpu.memory_space<vmem>>
        %dma_wait3A_264 = arith.constant 0 : i32
        %dma_wait3A_265 = arith.constant 0 : i32
        %dma_wait3A_266 = tpu.memref_slice %arg22[%dma_wait3A_264, %dma_wait3A_265] : memref<10240x16xf32, #tpu.memory_space<vmem_shared>> -> memref<10240x16xf32, #tpu.memory_space<vmem_shared>>
        tpu.wait_indirect_dma semaphore(%arg29 : memref<!tpu.dma_semaphore, #tpu.memory_space<semaphore_mem>>) src(%arg19 : memref<256x16xf32, #tpu.memory_space<vmem>>) dst(%dma_wait3A_266 : memref<10240x16xf32, #tpu.memory_space<vmem_shared>>)
      } else {
      }
      %add3A_137 = arith.constant 2 : i32
      %add3A_138 = arith.addi %add3A_134, %add3A_137 : i32
      %lt3A = arith.constant 20 : i32
      %lt3A_139 = arith.cmpi slt, %add3A_138, %lt3A : i32
      %convert_element_type3A_140 = arith.extui %lt3A_139 : i1 to i32
      %cond3A_141 = arith.constant 0 : i32
      %cond3A_142 = arith.cmpi ne, %convert_element_type3A_140, %cond3A_141 : i32
      scf.if %cond3A_142 {
        %add3A_257 = arith.constant 2 : i32
        %add3A_258 = arith.addi %add3A_134, %add3A_257 : i32
        %mul3A_259 = arith.constant 2 : i32
        %mul3A_260 = arith.muli %mul3A_259, %add3A_258 : i32
        %add3A_261 = arith.addi %mul3A_260, %arg0 : i32
        %dma_start3A_262 = arith.constant 0 : i32
        %dma_start3A_263 = tpu.memref_slice %arg11[%add3A_261, %dma_start3A_262] : memref<40x256xi32, #tpu.memory_space<vmem>> -> memref<1x256xi32, #tpu.memory_space<vmem>>
        %dma_start3A_264 = tpu.memref_squeeze %dma_start3A_263 : memref<1x256xi32, #tpu.memory_space<vmem>> -> memref<256xi32, #tpu.memory_space<vmem>>
        %dma_start3A_265 = arith.constant 0 : i32
        %dma_start3A_266 = arith.constant 0 : i32
        %dma_start3A_267 = tpu.memref_slice %arg6[%dma_start3A_265, %dma_start3A_266] : memref<2304x16xf32, #tpu.memory_space<hbm>> -> memref<2304x16xf32, #tpu.memory_space<hbm>>
        tpu.enqueue_indirect_dma source(%dma_start3A_267 : memref<2304x16xf32, #tpu.memory_space<hbm>>) target(%arg19 : memref<256x16xf32, #tpu.memory_space<vmem>>) offsets(%dma_start3A_264 : memref<256xi32, #tpu.memory_space<vmem>>) semaphore(%arg25 : memref<!tpu.dma_semaphore, #tpu.memory_space<semaphore_mem>>)
      } else {
      }
      %mul3A_143 = arith.constant 2 : i32
      %mul3A_144 = arith.muli %mul3A_143, %add3A_134 : i32
      %add3A_145 = arith.addi %mul3A_144, %arg0 : i32
      %dma_wait3A_146 = arith.constant 0 : i32
      %dma_wait3A_147 = tpu.memref_slice %arg11[%add3A_145, %dma_wait3A_146] : memref<40x256xi32, #tpu.memory_space<vmem>> -> memref<1x256xi32, #tpu.memory_space<vmem>>
      %dma_wait3A_148 = tpu.memref_squeeze %dma_wait3A_147 : memref<1x256xi32, #tpu.memory_space<vmem>> -> memref<256xi32, #tpu.memory_space<vmem>>
      %dma_wait3A_149 = arith.constant 0 : i32
      %dma_wait3A_150 = arith.constant 0 : i32
      %dma_wait3A_151 = tpu.memref_slice %arg6[%dma_wait3A_149, %dma_wait3A_150] : memref<2304x16xf32, #tpu.memory_space<hbm>> -> memref<2304x16xf32, #tpu.memory_space<hbm>>
      tpu.wait_indirect_dma semaphore(%arg23 : memref<!tpu.dma_semaphore, #tpu.memory_space<semaphore_mem>>) src(%dma_wait3A_151 : memref<2304x16xf32, #tpu.memory_space<hbm>>) dst(%arg17 : memref<256x16xf32, #tpu.memory_space<vmem>>)
      %mul3A_152 = arith.constant 2 : i32
      %mul3A_153 = arith.muli %mul3A_152, %add3A_134 : i32
      %add3A_154 = arith.addi %mul3A_153, %arg0 : i32
      %dma_start3A_155 = arith.constant 0 : i32
      %dma_start3A_156 = tpu.memref_slice %arg12[%add3A_154, %dma_start3A_155] : memref<40x256xi32, #tpu.memory_space<vmem>> -> memref<1x256xi32, #tpu.memory_space<vmem>>
      %dma_start3A_157 = tpu.memref_squeeze %dma_start3A_156 : memref<1x256xi32, #tpu.memory_space<vmem>> -> memref<256xi32, #tpu.memory_space<vmem>>
      %dma_start3A_158 = arith.constant 0 : i32
      %dma_start3A_159 = arith.constant 0 : i32
      %dma_start3A_160 = tpu.memref_slice %arg22[%dma_start3A_158, %dma_start3A_159] : memref<10240x16xf32, #tpu.memory_space<vmem_shared>> -> memref<10240x16xf32, #tpu.memory_space<vmem_shared>>
      tpu.enqueue_indirect_dma source(%arg17 : memref<256x16xf32, #tpu.memory_space<vmem>>) target(%dma_start3A_160 : memref<10240x16xf32, #tpu.memory_space<vmem_shared>>) offsets(%dma_start3A_157 : memref<256xi32, #tpu.memory_space<vmem>>) semaphore(%arg27 : memref<!tpu.dma_semaphore, #tpu.memory_space<semaphore_mem>>) {add = true}
      %add3A_161 = arith.constant 1 : i32
      %add3A_162 = arith.addi %mul3A_132, %add3A_161 : i32
      %ge3A_163 = arith.constant 2 : i32
      %ge3A_164 = arith.cmpi sge, %add3A_162, %ge3A_163 : i32
      %convert_element_type3A_165 = arith.extui %ge3A_164 : i1 to i32
      %cond3A_166 = arith.constant 0 : i32
      %cond3A_167 = arith.cmpi ne, %convert_element_type3A_165, %cond3A_166 : i32
      scf.if %cond3A_167 {
        %sub3A = arith.constant 2 : i32
        %sub3A_257 = arith.subi %add3A_162, %sub3A : i32
        %mul3A_258 = arith.constant 2 : i32
        %mul3A_259 = arith.muli %mul3A_258, %sub3A_257 : i32
        %add3A_260 = arith.addi %mul3A_259, %arg0 : i32
        %dma_wait3A_261 = arith.constant 0 : i32
        %dma_wait3A_262 = tpu.memref_slice %arg12[%add3A_260, %dma_wait3A_261] : memref<40x256xi32, #tpu.memory_space<vmem>> -> memref<1x256xi32, #tpu.memory_space<vmem>>
        %dma_wait3A_263 = tpu.memref_squeeze %dma_wait3A_262 : memref<1x256xi32, #tpu.memory_space<vmem>> -> memref<256xi32, #tpu.memory_space<vmem>>
        %dma_wait3A_264 = arith.constant 0 : i32
        %dma_wait3A_265 = arith.constant 0 : i32
        %dma_wait3A_266 = tpu.memref_slice %arg22[%dma_wait3A_264, %dma_wait3A_265] : memref<10240x16xf32, #tpu.memory_space<vmem_shared>> -> memref<10240x16xf32, #tpu.memory_space<vmem_shared>>
        tpu.wait_indirect_dma semaphore(%arg30 : memref<!tpu.dma_semaphore, #tpu.memory_space<semaphore_mem>>) src(%arg20 : memref<256x16xf32, #tpu.memory_space<vmem>>) dst(%dma_wait3A_266 : memref<10240x16xf32, #tpu.memory_space<vmem_shared>>)
      } else {
      }
      %add3A_168 = arith.constant 2 : i32
      %add3A_169 = arith.addi %add3A_162, %add3A_168 : i32
      %lt3A_170 = arith.constant 20 : i32
      %lt3A_171 = arith.cmpi slt, %add3A_169, %lt3A_170 : i32
      %convert_element_type3A_172 = arith.extui %lt3A_171 : i1 to i32
      %cond3A_173 = arith.constant 0 : i32
      %cond3A_174 = arith.cmpi ne, %convert_element_type3A_172, %cond3A_173 : i32
      scf.if %cond3A_174 {
        %add3A_257 = arith.constant 2 : i32
        %add3A_258 = arith.addi %add3A_162, %add3A_257 : i32
        %mul3A_259 = arith.constant 2 : i32
        %mul3A_260 = arith.muli %mul3A_259, %add3A_258 : i32
        %add3A_261 = arith.addi %mul3A_260, %arg0 : i32
        %dma_start3A_262 = arith.constant 0 : i32
        %dma_start3A_263 = tpu.memref_slice %arg11[%add3A_261, %dma_start3A_262] : memref<40x256xi32, #tpu.memory_space<vmem>> -> memref<1x256xi32, #tpu.memory_space<vmem>>
        %dma_start3A_264 = tpu.memref_squeeze %dma_start3A_263 : memref<1x256xi32, #tpu.memory_space<vmem>> -> memref<256xi32, #tpu.memory_space<vmem>>
        %dma_start3A_265 = arith.constant 0 : i32
        %dma_start3A_266 = arith.constant 0 : i32
        %dma_start3A_267 = tpu.memref_slice %arg6[%dma_start3A_265, %dma_start3A_266] : memref<2304x16xf32, #tpu.memory_space<hbm>> -> memref<2304x16xf32, #tpu.memory_space<hbm>>
        tpu.enqueue_indirect_dma source(%dma_start3A_267 : memref<2304x16xf32, #tpu.memory_space<hbm>>) target(%arg20 : memref<256x16xf32, #tpu.memory_space<vmem>>) offsets(%dma_start3A_264 : memref<256xi32, #tpu.memory_space<vmem>>) semaphore(%arg26 : memref<!tpu.dma_semaphore, #tpu.memory_space<semaphore_mem>>)
      } else {
      }
      %mul3A_175 = arith.constant 2 : i32
      %mul3A_176 = arith.muli %mul3A_175, %add3A_162 : i32
      %add3A_177 = arith.addi %mul3A_176, %arg0 : i32
      %dma_wait3A_178 = arith.constant 0 : i32
      %dma_wait3A_179 = tpu.memref_slice %arg11[%add3A_177, %dma_wait3A_178] : memref<40x256xi32, #tpu.memory_space<vmem>> -> memref<1x256xi32, #tpu.memory_space<vmem>>
      %dma_wait3A_180 = tpu.memref_squeeze %dma_wait3A_179 : memref<1x256xi32, #tpu.memory_space<vmem>> -> memref<256xi32, #tpu.memory_space<vmem>>
      %dma_wait3A_181 = arith.constant 0 : i32
      %dma_wait3A_182 = arith.constant 0 : i32
      %dma_wait3A_183 = tpu.memref_slice %arg6[%dma_wait3A_181, %dma_wait3A_182] : memref<2304x16xf32, #tpu.memory_space<hbm>> -> memref<2304x16xf32, #tpu.memory_space<hbm>>
      tpu.wait_indirect_dma semaphore(%arg24 : memref<!tpu.dma_semaphore, #tpu.memory_space<semaphore_mem>>) src(%dma_wait3A_183 : memref<2304x16xf32, #tpu.memory_space<hbm>>) dst(%arg18 : memref<256x16xf32, #tpu.memory_space<vmem>>)
      %mul3A_184 = arith.constant 2 : i32
      %mul3A_185 = arith.muli %mul3A_184, %add3A_162 : i32
      %add3A_186 = arith.addi %mul3A_185, %arg0 : i32
      %dma_start3A_187 = arith.constant 0 : i32
      %dma_start3A_188 = tpu.memref_slice %arg12[%add3A_186, %dma_start3A_187] : memref<40x256xi32, #tpu.memory_space<vmem>> -> memref<1x256xi32, #tpu.memory_space<vmem>>
      %dma_start3A_189 = tpu.memref_squeeze %dma_start3A_188 : memref<1x256xi32, #tpu.memory_space<vmem>> -> memref<256xi32, #tpu.memory_space<vmem>>
      %dma_start3A_190 = arith.constant 0 : i32
      %dma_start3A_191 = arith.constant 0 : i32
      %dma_start3A_192 = tpu.memref_slice %arg22[%dma_start3A_190, %dma_start3A_191] : memref<10240x16xf32, #tpu.memory_space<vmem_shared>> -> memref<10240x16xf32, #tpu.memory_space<vmem_shared>>
      tpu.enqueue_indirect_dma source(%arg18 : memref<256x16xf32, #tpu.memory_space<vmem>>) target(%dma_start3A_192 : memref<10240x16xf32, #tpu.memory_space<vmem_shared>>) offsets(%dma_start3A_189 : memref<256xi32, #tpu.memory_space<vmem>>) semaphore(%arg28 : memref<!tpu.dma_semaphore, #tpu.memory_space<semaphore_mem>>) {add = true}
      %add3A_193 = arith.constant 2 : i32
      %add3A_194 = arith.addi %mul3A_132, %add3A_193 : i32
      %ge3A_195 = arith.constant 2 : i32
      %ge3A_196 = arith.cmpi sge, %add3A_194, %ge3A_195 : i32
      %convert_element_type3A_197 = arith.extui %ge3A_196 : i1 to i32
      %cond3A_198 = arith.constant 0 : i32
      %cond3A_199 = arith.cmpi ne, %convert_element_type3A_197, %cond3A_198 : i32
      scf.if %cond3A_199 {
        %sub3A = arith.constant 2 : i32
        %sub3A_257 = arith.subi %add3A_194, %sub3A : i32
        %mul3A_258 = arith.constant 2 : i32
        %mul3A_259 = arith.muli %mul3A_258, %sub3A_257 : i32
        %add3A_260 = arith.addi %mul3A_259, %arg0 : i32
        %dma_wait3A_261 = arith.constant 0 : i32
        %dma_wait3A_262 = tpu.memref_slice %arg12[%add3A_260, %dma_wait3A_261] : memref<40x256xi32, #tpu.memory_space<vmem>> -> memref<1x256xi32, #tpu.memory_space<vmem>>
        %dma_wait3A_263 = tpu.memref_squeeze %dma_wait3A_262 : memref<1x256xi32, #tpu.memory_space<vmem>> -> memref<256xi32, #tpu.memory_space<vmem>>
        %dma_wait3A_264 = arith.constant 0 : i32
        %dma_wait3A_265 = arith.constant 0 : i32
        %dma_wait3A_266 = tpu.memref_slice %arg22[%dma_wait3A_264, %dma_wait3A_265] : memref<10240x16xf32, #tpu.memory_space<vmem_shared>> -> memref<10240x16xf32, #tpu.memory_space<vmem_shared>>
        tpu.wait_indirect_dma semaphore(%arg27 : memref<!tpu.dma_semaphore, #tpu.memory_space<semaphore_mem>>) src(%arg17 : memref<256x16xf32, #tpu.memory_space<vmem>>) dst(%dma_wait3A_266 : memref<10240x16xf32, #tpu.memory_space<vmem_shared>>)
      } else {
      }
      %add3A_200 = arith.constant 2 : i32
      %add3A_201 = arith.addi %add3A_194, %add3A_200 : i32
      %lt3A_202 = arith.constant 20 : i32
      %lt3A_203 = arith.cmpi slt, %add3A_201, %lt3A_202 : i32
      %convert_element_type3A_204 = arith.extui %lt3A_203 : i1 to i32
      %cond3A_205 = arith.constant 0 : i32
      %cond3A_206 = arith.cmpi ne, %convert_element_type3A_204, %cond3A_205 : i32
      scf.if %cond3A_206 {
        %add3A_257 = arith.constant 2 : i32
        %add3A_258 = arith.addi %add3A_194, %add3A_257 : i32
        %mul3A_259 = arith.constant 2 : i32
        %mul3A_260 = arith.muli %mul3A_259, %add3A_258 : i32
        %add3A_261 = arith.addi %mul3A_260, %arg0 : i32
        %dma_start3A_262 = arith.constant 0 : i32
        %dma_start3A_263 = tpu.memref_slice %arg11[%add3A_261, %dma_start3A_262] : memref<40x256xi32, #tpu.memory_space<vmem>> -> memref<1x256xi32, #tpu.memory_space<vmem>>
        %dma_start3A_264 = tpu.memref_squeeze %dma_start3A_263 : memref<1x256xi32, #tpu.memory_space<vmem>> -> memref<256xi32, #tpu.memory_space<vmem>>
        %dma_start3A_265 = arith.constant 0 : i32
        %dma_start3A_266 = arith.constant 0 : i32
        %dma_start3A_267 = tpu.memref_slice %arg6[%dma_start3A_265, %dma_start3A_266] : memref<2304x16xf32, #tpu.memory_space<hbm>> -> memref<2304x16xf32, #tpu.memory_space<hbm>>
        tpu.enqueue_indirect_dma source(%dma_start3A_267 : memref<2304x16xf32, #tpu.memory_space<hbm>>) target(%arg17 : memref<256x16xf32, #tpu.memory_space<vmem>>) offsets(%dma_start3A_264 : memref<256xi32, #tpu.memory_space<vmem>>) semaphore(%arg23 : memref<!tpu.dma_semaphore, #tpu.memory_space<semaphore_mem>>)
      } else {
      }
      %mul3A_207 = arith.constant 2 : i32
      %mul3A_208 = arith.muli %mul3A_207, %add3A_194 : i32
      %add3A_209 = arith.addi %mul3A_208, %arg0 : i32
      %dma_wait3A_210 = arith.constant 0 : i32
      %dma_wait3A_211 = tpu.memref_slice %arg11[%add3A_209, %dma_wait3A_210] : memref<40x256xi32, #tpu.memory_space<vmem>> -> memref<1x256xi32, #tpu.memory_space<vmem>>
      %dma_wait3A_212 = tpu.memref_squeeze %dma_wait3A_211 : memref<1x256xi32, #tpu.memory_space<vmem>> -> memref<256xi32, #tpu.memory_space<vmem>>
      %dma_wait3A_213 = arith.constant 0 : i32
      %dma_wait3A_214 = arith.constant 0 : i32
      %dma_wait3A_215 = tpu.memref_slice %arg6[%dma_wait3A_213, %dma_wait3A_214] : memref<2304x16xf32, #tpu.memory_space<hbm>> -> memref<2304x16xf32, #tpu.memory_space<hbm>>
      tpu.wait_indirect_dma semaphore(%arg25 : memref<!tpu.dma_semaphore, #tpu.memory_space<semaphore_mem>>) src(%dma_wait3A_215 : memref<2304x16xf32, #tpu.memory_space<hbm>>) dst(%arg19 : memref<256x16xf32, #tpu.memory_space<vmem>>)
      %mul3A_216 = arith.constant 2 : i32
      %mul3A_217 = arith.muli %mul3A_216, %add3A_194 : i32
      %add3A_218 = arith.addi %mul3A_217, %arg0 : i32
      %dma_start3A_219 = arith.constant 0 : i32
      %dma_start3A_220 = tpu.memref_slice %arg12[%add3A_218, %dma_start3A_219] : memref<40x256xi32, #tpu.memory_space<vmem>> -> memref<1x256xi32, #tpu.memory_space<vmem>>
      %dma_start3A_221 = tpu.memref_squeeze %dma_start3A_220 : memref<1x256xi32, #tpu.memory_space<vmem>> -> memref<256xi32, #tpu.memory_space<vmem>>
      %dma_start3A_222 = arith.constant 0 : i32
      %dma_start3A_223 = arith.constant 0 : i32
      %dma_start3A_224 = tpu.memref_slice %arg22[%dma_start3A_222, %dma_start3A_223] : memref<10240x16xf32, #tpu.memory_space<vmem_shared>> -> memref<10240x16xf32, #tpu.memory_space<vmem_shared>>
      tpu.enqueue_indirect_dma source(%arg19 : memref<256x16xf32, #tpu.memory_space<vmem>>) target(%dma_start3A_224 : memref<10240x16xf32, #tpu.memory_space<vmem_shared>>) offsets(%dma_start3A_221 : memref<256xi32, #tpu.memory_space<vmem>>) semaphore(%arg29 : memref<!tpu.dma_semaphore, #tpu.memory_space<semaphore_mem>>) {add = true}
      %add3A_225 = arith.constant 3 : i32
      %add3A_226 = arith.addi %mul3A_132, %add3A_225 : i32
      %ge3A_227 = arith.constant 2 : i32
      %ge3A_228 = arith.cmpi sge, %add3A_226, %ge3A_227 : i32
      %convert_element_type3A_229 = arith.extui %ge3A_228 : i1 to i32
      %cond3A_230 = arith.constant 0 : i32
      %cond3A_231 = arith.cmpi ne, %convert_element_type3A_229, %cond3A_230 : i32
      scf.if %cond3A_231 {
        %sub3A = arith.constant 2 : i32
        %sub3A_257 = arith.subi %add3A_226, %sub3A : i32
        %mul3A_258 = arith.constant 2 : i32
        %mul3A_259 = arith.muli %mul3A_258, %sub3A_257 : i32
        %add3A_260 = arith.addi %mul3A_259, %arg0 : i32
        %dma_wait3A_261 = arith.constant 0 : i32
        %dma_wait3A_262 = tpu.memref_slice %arg12[%add3A_260, %dma_wait3A_261] : memref<40x256xi32, #tpu.memory_space<vmem>> -> memref<1x256xi32, #tpu.memory_space<vmem>>
        %dma_wait3A_263 = tpu.memref_squeeze %dma_wait3A_262 : memref<1x256xi32, #tpu.memory_space<vmem>> -> memref<256xi32, #tpu.memory_space<vmem>>
        %dma_wait3A_264 = arith.constant 0 : i32
        %dma_wait3A_265 = arith.constant 0 : i32
        %dma_wait3A_266 = tpu.memref_slice %arg22[%dma_wait3A_264, %dma_wait3A_265] : memref<10240x16xf32, #tpu.memory_space<vmem_shared>> -> memref<10240x16xf32, #tpu.memory_space<vmem_shared>>
        tpu.wait_indirect_dma semaphore(%arg28 : memref<!tpu.dma_semaphore, #tpu.memory_space<semaphore_mem>>) src(%arg18 : memref<256x16xf32, #tpu.memory_space<vmem>>) dst(%dma_wait3A_266 : memref<10240x16xf32, #tpu.memory_space<vmem_shared>>)
      } else {
      }
      %add3A_232 = arith.constant 2 : i32
      %add3A_233 = arith.addi %add3A_226, %add3A_232 : i32
      %lt3A_234 = arith.constant 20 : i32
      %lt3A_235 = arith.cmpi slt, %add3A_233, %lt3A_234 : i32
      %convert_element_type3A_236 = arith.extui %lt3A_235 : i1 to i32
      %cond3A_237 = arith.constant 0 : i32
      %cond3A_238 = arith.cmpi ne, %convert_element_type3A_236, %cond3A_237 : i32
      scf.if %cond3A_238 {
        %add3A_257 = arith.constant 2 : i32
        %add3A_258 = arith.addi %add3A_226, %add3A_257 : i32
        %mul3A_259 = arith.constant 2 : i32
        %mul3A_260 = arith.muli %mul3A_259, %add3A_258 : i32
        %add3A_261 = arith.addi %mul3A_260, %arg0 : i32
        %dma_start3A_262 = arith.constant 0 : i32
        %dma_start3A_263 = tpu.memref_slice %arg11[%add3A_261, %dma_start3A_262] : memref<40x256xi32, #tpu.memory_space<vmem>> -> memref<1x256xi32, #tpu.memory_space<vmem>>
        %dma_start3A_264 = tpu.memref_squeeze %dma_start3A_263 : memref<1x256xi32, #tpu.memory_space<vmem>> -> memref<256xi32, #tpu.memory_space<vmem>>
        %dma_start3A_265 = arith.constant 0 : i32
        %dma_start3A_266 = arith.constant 0 : i32
        %dma_start3A_267 = tpu.memref_slice %arg6[%dma_start3A_265, %dma_start3A_266] : memref<2304x16xf32, #tpu.memory_space<hbm>> -> memref<2304x16xf32, #tpu.memory_space<hbm>>
        tpu.enqueue_indirect_dma source(%dma_start3A_267 : memref<2304x16xf32, #tpu.memory_space<hbm>>) target(%arg18 : memref<256x16xf32, #tpu.memory_space<vmem>>) offsets(%dma_start3A_264 : memref<256xi32, #tpu.memory_space<vmem>>) semaphore(%arg24 : memref<!tpu.dma_semaphore, #tpu.memory_space<semaphore_mem>>)
      } else {
      }
      %mul3A_239 = arith.constant 2 : i32
      %mul3A_240 = arith.muli %mul3A_239, %add3A_226 : i32
      %add3A_241 = arith.addi %mul3A_240, %arg0 : i32
      %dma_wait3A_242 = arith.constant 0 : i32
      %dma_wait3A_243 = tpu.memref_slice %arg11[%add3A_241, %dma_wait3A_242] : memref<40x256xi32, #tpu.memory_space<vmem>> -> memref<1x256xi32, #tpu.memory_space<vmem>>
      %dma_wait3A_244 = tpu.memref_squeeze %dma_wait3A_243 : memref<1x256xi32, #tpu.memory_space<vmem>> -> memref<256xi32, #tpu.memory_space<vmem>>
      %dma_wait3A_245 = arith.constant 0 : i32
      %dma_wait3A_246 = arith.constant 0 : i32
      %dma_wait3A_247 = tpu.memref_slice %arg6[%dma_wait3A_245, %dma_wait3A_246] : memref<2304x16xf32, #tpu.memory_space<hbm>> -> memref<2304x16xf32, #tpu.memory_space<hbm>>
      tpu.wait_indirect_dma semaphore(%arg26 : memref<!tpu.dma_semaphore, #tpu.memory_space<semaphore_mem>>) src(%dma_wait3A_247 : memref<2304x16xf32, #tpu.memory_space<hbm>>) dst(%arg20 : memref<256x16xf32, #tpu.memory_space<vmem>>)
      %mul3A_248 = arith.constant 2 : i32
      %mul3A_249 = arith.muli %mul3A_248, %add3A_226 : i32
      %add3A_250 = arith.addi %mul3A_249, %arg0 : i32
      %dma_start3A_251 = arith.constant 0 : i32
      %dma_start3A_252 = tpu.memref_slice %arg12[%add3A_250, %dma_start3A_251] : memref<40x256xi32, #tpu.memory_space<vmem>> -> memref<1x256xi32, #tpu.memory_space<vmem>>
      %dma_start3A_253 = tpu.memref_squeeze %dma_start3A_252 : memref<1x256xi32, #tpu.memory_space<vmem>> -> memref<256xi32, #tpu.memory_space<vmem>>
      %dma_start3A_254 = arith.constant 0 : i32
      %dma_start3A_255 = arith.constant 0 : i32
      %dma_start3A_256 = tpu.memref_slice %arg22[%dma_start3A_254, %dma_start3A_255] : memref<10240x16xf32, #tpu.memory_space<vmem_shared>> -> memref<10240x16xf32, #tpu.memory_space<vmem_shared>>
      tpu.enqueue_indirect_dma source(%arg20 : memref<256x16xf32, #tpu.memory_space<vmem>>) target(%dma_start3A_256 : memref<10240x16xf32, #tpu.memory_space<vmem_shared>>) offsets(%dma_start3A_253 : memref<256xi32, #tpu.memory_space<vmem>>) semaphore(%arg30 : memref<!tpu.dma_semaphore, #tpu.memory_space<semaphore_mem>>) {add = true}
    }
    %scan3A_108 = arith.constant 5 : i32
    %add3A_109 = arith.constant 36 : i32
    %add3A_110 = arith.addi %add3A_109, %arg0 : i32
    %dma_wait3A_111 = arith.constant 0 : i32
    %dma_wait3A_112 = tpu.memref_slice %arg12[%add3A_110, %dma_wait3A_111] : memref<40x256xi32, #tpu.memory_space<vmem>> -> memref<1x256xi32, #tpu.memory_space<vmem>>
    %dma_wait3A_113 = tpu.memref_squeeze %dma_wait3A_112 : memref<1x256xi32, #tpu.memory_space<vmem>> -> memref<256xi32, #tpu.memory_space<vmem>>
    %dma_wait3A_114 = arith.constant 0 : i32
    %dma_wait3A_115 = arith.constant 0 : i32
    %dma_wait3A_116 = tpu.memref_slice %arg22[%dma_wait3A_114, %dma_wait3A_115] : memref<10240x16xf32, #tpu.memory_space<vmem_shared>> -> memref<10240x16xf32, #tpu.memory_space<vmem_shared>>
    tpu.wait_indirect_dma semaphore(%arg29 : memref<!tpu.dma_semaphore, #tpu.memory_space<semaphore_mem>>) src(%arg19 : memref<256x16xf32, #tpu.memory_space<vmem>>) dst(%dma_wait3A_116 : memref<10240x16xf32, #tpu.memory_space<vmem_shared>>)
    %add3A_117 = arith.constant 38 : i32
    %add3A_118 = arith.addi %add3A_117, %arg0 : i32
    %dma_wait3A_119 = arith.constant 0 : i32
    %dma_wait3A_120 = tpu.memref_slice %arg12[%add3A_118, %dma_wait3A_119] : memref<40x256xi32, #tpu.memory_space<vmem>> -> memref<1x256xi32, #tpu.memory_space<vmem>>
    %dma_wait3A_121 = tpu.memref_squeeze %dma_wait3A_120 : memref<1x256xi32, #tpu.memory_space<vmem>> -> memref<256xi32, #tpu.memory_space<vmem>>
    %dma_wait3A_122 = arith.constant 0 : i32
    %dma_wait3A_123 = arith.constant 0 : i32
    %dma_wait3A_124 = tpu.memref_slice %arg22[%dma_wait3A_122, %dma_wait3A_123] : memref<10240x16xf32, #tpu.memory_space<vmem_shared>> -> memref<10240x16xf32, #tpu.memory_space<vmem_shared>>
    tpu.wait_indirect_dma semaphore(%arg30 : memref<!tpu.dma_semaphore, #tpu.memory_space<semaphore_mem>>) src(%arg20 : memref<256x16xf32, #tpu.memory_space<vmem>>) dst(%dma_wait3A_124 : memref<10240x16xf32, #tpu.memory_space<vmem_shared>>)
    %barrier3A_125 = arith.constant 0 : index
    tpu.barrier barrier_id(%barrier3A_125)
    %mul3A_126 = arith.constant 640 : i32
    %mul3A_127 = arith.muli %arg1, %mul3A_126 : i32
    %mul3A_128 = arith.constant 640 : i32
    %mul3A_129 = arith.muli %arg1, %mul3A_128 : i32
    "tpu.region"() ({
      %run_scoped3A = tpu.sem_alloc : memref<!tpu.dma_semaphore, #tpu.memory_space<semaphore_mem>>
      %dma_start3A_130 = arith.constant 0 : i32
      %dma_start3A_131 = tpu.memref_slice %arg10[%arg0, %mul3A_129, %dma_start3A_130] : memref<2x10240x16xf32, #tpu.memory_space<hbm>> -> memref<1x640x16xf32, #tpu.memory_space<hbm>>
      %dma_start3A_132 = tpu.memref_squeeze %dma_start3A_131 : memref<1x640x16xf32, #tpu.memory_space<hbm>> -> memref<640x16xf32, #tpu.memory_space<hbm>>
      %dma_start3A_133 = arith.constant 0 : i32
      %dma_start3A_134 = tpu.memref_slice %arg22[%mul3A_127, %dma_start3A_133] : memref<10240x16xf32, #tpu.memory_space<vmem_shared>> -> memref<640x16xf32, #tpu.memory_space<vmem_shared>>
      tpu.enqueue_dma source(%dma_start3A_134 : memref<640x16xf32, #tpu.memory_space<vmem_shared>>) target(%dma_start3A_132 : memref<640x16xf32, #tpu.memory_space<hbm>>) target_semaphore(%run_scoped3A : memref<!tpu.dma_semaphore, #tpu.memory_space<semaphore_mem>>)
      %dma_wait3A_135 = arith.constant 0 : i32
      %dma_wait3A_136 = tpu.memref_slice %arg10[%arg0, %mul3A_129, %dma_wait3A_135] : memref<2x10240x16xf32, #tpu.memory_space<hbm>> -> memref<1x640x16xf32, #tpu.memory_space<hbm>>
      %dma_wait3A_137 = tpu.memref_squeeze %dma_wait3A_136 : memref<1x640x16xf32, #tpu.memory_space<hbm>> -> memref<640x16xf32, #tpu.memory_space<hbm>>
      %dma_wait3A_138 = arith.constant 0 : i32
      %dma_wait3A_139 = tpu.memref_slice %arg22[%mul3A_127, %dma_wait3A_138] : memref<10240x16xf32, #tpu.memory_space<vmem_shared>> -> memref<640x16xf32, #tpu.memory_space<vmem_shared>>
      tpu.wait_dma2 semaphore(%run_scoped3A : memref<!tpu.dma_semaphore, #tpu.memory_space<semaphore_mem>>) src(%dma_wait3A_139 : memref<640x16xf32, #tpu.memory_space<vmem_shared>>) dst(%dma_wait3A_137 : memref<640x16xf32, #tpu.memory_space<hbm>>)
      tpu.yield
    }) : () -> ()
    return
  }
}

module attributes {stable_mosaic.version = 14 : i64} {
  func.func @body(%arg0: i32, %arg1: memref<4x400x64xbf16, #tpu.memory_space<vmem>>, %arg2: memref<2x400x16xf32, #tpu.memory_space<vmem>>, %arg3: memref<400x256xf32, #tpu.memory_space<vmem>>, %arg4: memref<1x256xf32, #tpu.memory_space<vmem>>, %arg5: memref<16x256xf32, #tpu.memory_space<vmem>>, %arg6: memref<256x512xf32, #tpu.memory_space<vmem>>, %arg7: memref<1x512xf32, #tpu.memory_space<vmem>>, %arg8: memref<512x256xf32, #tpu.memory_space<vmem>>, %arg9: memref<1x256xf32, #tpu.memory_space<vmem>>, %arg10: memref<400x256xf32, #tpu.memory_space<vmem>>) attributes {dimension_semantics = [#tpu.dimension_semantics<arbitrary>], iteration_bounds = array<i64: 25>, scalar_prefetch = 0 : i64, scratch_operands = 0 : i64, tpu.core_type = #tpu.core_type<tc>, window_params = [{transform_indices = @transform_0, window_bounds = array<i64: 4, 400, 64>}, {transform_indices = @transform_1, window_bounds = array<i64: 2, 400, 16>}, {transform_indices = @transform_2, window_bounds = array<i64: 400, 256>}, {pipeline_mode = #tpu.pipeline_mode<synchronous>, transform_indices = @transform_3, window_bounds = array<i64: 1, 256>}, {pipeline_mode = #tpu.pipeline_mode<synchronous>, transform_indices = @transform_4, window_bounds = array<i64: 16, 256>}, {pipeline_mode = #tpu.pipeline_mode<synchronous>, transform_indices = @transform_5, window_bounds = array<i64: 256, 512>}, {pipeline_mode = #tpu.pipeline_mode<synchronous>, transform_indices = @transform_6, window_bounds = array<i64: 1, 512>}, {pipeline_mode = #tpu.pipeline_mode<synchronous>, transform_indices = @transform_7, window_bounds = array<i64: 512, 256>}, {pipeline_mode = #tpu.pipeline_mode<synchronous>, transform_indices = @transform_8, window_bounds = array<i64: 1, 256>}, {transform_indices = @transform_9, window_bounds = array<i64: 400, 256>}]} {
    %get3A = arith.constant 0 : index
    %get3A_0 = arith.constant 0 : index
    %get3A_1 = arith.constant 0 : index
    %get3A_2 = vector.load %arg1[%get3A, %get3A_0, %get3A_1] : memref<4x400x64xbf16, #tpu.memory_space<vmem>>, vector<1x400x64xbf16>
    %get3A_3 = vector.shape_cast %get3A_2 : vector<1x400x64xbf16> to vector<400x64xbf16>
    %get3A_4 = arith.constant 1 : index
    %get3A_5 = arith.constant 0 : index
    %get3A_6 = arith.constant 0 : index
    %get3A_7 = vector.load %arg1[%get3A_4, %get3A_5, %get3A_6] : memref<4x400x64xbf16, #tpu.memory_space<vmem>>, vector<1x400x64xbf16>
    %get3A_8 = vector.shape_cast %get3A_7 : vector<1x400x64xbf16> to vector<400x64xbf16>
    %get3A_9 = arith.constant 2 : index
    %get3A_10 = arith.constant 0 : index
    %get3A_11 = arith.constant 0 : index
    %get3A_12 = vector.load %arg1[%get3A_9, %get3A_10, %get3A_11] : memref<4x400x64xbf16, #tpu.memory_space<vmem>>, vector<1x400x64xbf16>
    %get3A_13 = vector.shape_cast %get3A_12 : vector<1x400x64xbf16> to vector<400x64xbf16>
    %get3A_14 = arith.constant 3 : index
    %get3A_15 = arith.constant 0 : index
    %get3A_16 = arith.constant 0 : index
    %get3A_17 = vector.load %arg1[%get3A_14, %get3A_15, %get3A_16] : memref<4x400x64xbf16, #tpu.memory_space<vmem>>, vector<1x400x64xbf16>
    %get3A_18 = vector.shape_cast %get3A_17 : vector<1x400x64xbf16> to vector<400x64xbf16>
    %concatenate3A = tpu.concatenate %get3A_3, %get3A_8, %get3A_13, %get3A_18 in 1 : vector<400x64xbf16>, vector<400x64xbf16>, vector<400x64xbf16>, vector<400x64xbf16> -> vector<400x256xbf16>
    %convert_element_type3A = arith.extf %concatenate3A : vector<400x256xbf16> to vector<400x256xf32>
    %get3A_19 = arith.constant 0 : index
    %get3A_20 = arith.constant 0 : index
    %get3A_21 = vector.load %arg3[%get3A_19, %get3A_20] : memref<400x256xf32, #tpu.memory_space<vmem>>, vector<400x256xf32>
    %add3A = arith.addf %convert_element_type3A, %get3A_21 : vector<400x256xf32>
    %get3A_22 = arith.constant 0 : index
    %get3A_23 = arith.constant 0 : index
    %get3A_24 = vector.load %arg4[%get3A_22, %get3A_23] : memref<1x256xf32, #tpu.memory_space<vmem>>, vector<1x256xf32>
    %add3A_25 = vector.broadcast %get3A_24 : vector<1x256xf32> to vector<400x256xf32>
    %add3A_26 = arith.addf %add3A, %add3A_25 : vector<400x256xf32>
    %get3A_27 = arith.constant 0 : index
    %get3A_28 = arith.constant 0 : index
    %get3A_29 = arith.constant 0 : index
    %get3A_30 = vector.load %arg2[%get3A_27, %get3A_28, %get3A_29] : memref<2x400x16xf32, #tpu.memory_space<vmem>>, vector<1x400x16xf32>
    %get3A_31 = vector.shape_cast %get3A_30 : vector<1x400x16xf32> to vector<400x16xf32>
    %get3A_32 = arith.constant 1 : index
    %get3A_33 = arith.constant 0 : index
    %get3A_34 = arith.constant 0 : index
    %get3A_35 = vector.load %arg2[%get3A_32, %get3A_33, %get3A_34] : memref<2x400x16xf32, #tpu.memory_space<vmem>>, vector<1x400x16xf32>
    %get3A_36 = vector.shape_cast %get3A_35 : vector<1x400x16xf32> to vector<400x16xf32>
    %add3A_37 = arith.addf %get3A_31, %get3A_36 : vector<400x16xf32>
    %get3A_38 = arith.constant 0 : index
    %get3A_39 = arith.constant 0 : index
    %get3A_40 = vector.load %arg5[%get3A_38, %get3A_39] : memref<16x256xf32, #tpu.memory_space<vmem>>, vector<16x256xf32>
    %dot_general3A = arith.constant dense<0.000000e+00> : vector<400x256xf32>
    %dot_general3A_41 = tpu.matmul %add3A_37, %get3A_40, %dot_general3A {dimension_numbers = #tpu.dot_dimension_numbers<[1], [0], [0], [1], [0, 0, 1, 1], [], []>, transpose_lhs_hint = false} : vector<400x16xf32>, vector<16x256xf32>, vector<400x256xf32> -> vector<400x256xf32>
    %add3A_42 = arith.addf %add3A_26, %dot_general3A_41 : vector<400x256xf32>
    %get3A_43 = arith.constant 0 : index
    %get3A_44 = arith.constant 0 : index
    %get3A_45 = vector.load %arg6[%get3A_43, %get3A_44] : memref<256x512xf32, #tpu.memory_space<vmem>>, vector<256x512xf32>
    %dot_general3A_46 = arith.constant dense<0.000000e+00> : vector<400x512xf32>
    %dot_general3A_47 = tpu.matmul %add3A_42, %get3A_45, %dot_general3A_46 {dimension_numbers = #tpu.dot_dimension_numbers<[1], [0], [0], [1], [0, 0, 1, 1], [], []>, transpose_lhs_hint = false} : vector<400x256xf32>, vector<256x512xf32>, vector<400x512xf32> -> vector<400x512xf32>
    %get3A_48 = arith.constant 0 : index
    %get3A_49 = arith.constant 0 : index
    %get3A_50 = vector.load %arg7[%get3A_48, %get3A_49] : memref<1x512xf32, #tpu.memory_space<vmem>>, vector<1x512xf32>
    %add3A_51 = vector.broadcast %get3A_50 : vector<1x512xf32> to vector<400x512xf32>
    %add3A_52 = arith.addf %dot_general3A_47, %add3A_51 : vector<400x512xf32>
    %max3A = arith.constant 0.000000e+00 : f32
    %max3A_53 = vector.broadcast %max3A : f32 to vector<400x512xf32>
    %max3A_54 = arith.maximumf %add3A_52, %max3A_53 : vector<400x512xf32>
    %get3A_55 = arith.constant 0 : index
    %get3A_56 = arith.constant 0 : index
    %get3A_57 = vector.load %arg8[%get3A_55, %get3A_56] : memref<512x256xf32, #tpu.memory_space<vmem>>, vector<512x256xf32>
    %dot_general3A_58 = arith.constant dense<0.000000e+00> : vector<400x256xf32>
    %dot_general3A_59 = tpu.matmul %max3A_54, %get3A_57, %dot_general3A_58 {dimension_numbers = #tpu.dot_dimension_numbers<[1], [0], [0], [1], [0, 0, 1, 1], [], []>, transpose_lhs_hint = false} : vector<400x512xf32>, vector<512x256xf32>, vector<400x256xf32> -> vector<400x256xf32>
    %get3A_60 = arith.constant 0 : index
    %get3A_61 = arith.constant 0 : index
    %get3A_62 = vector.load %arg9[%get3A_60, %get3A_61] : memref<1x256xf32, #tpu.memory_space<vmem>>, vector<1x256xf32>
    %add3A_63 = vector.broadcast %get3A_62 : vector<1x256xf32> to vector<400x256xf32>
    %add3A_64 = arith.addf %dot_general3A_59, %add3A_63 : vector<400x256xf32>
    %swap3A = arith.constant 0 : index
    %swap3A_65 = arith.constant 0 : index
    %swap3A_66 = vector.load %arg10[%swap3A, %swap3A_65] : memref<400x256xf32, #tpu.memory_space<vmem>>, vector<400x256xf32>
    tpu.vector_store %arg10[%swap3A, %swap3A_65], %add3A_64 {strides = array<i32>} : memref<400x256xf32, #tpu.memory_space<vmem>>, vector<400x256xf32>,
    return
  }
  func.func @transform_0(%arg0: i32) -> (i32, i32, i32) {
    %c0_i32 = arith.constant 0 : i32
    %c0_i32_0 = arith.constant 0 : i32
    %c0_i32_1 = arith.constant 0 : i32
    return %c0_i32, %arg0, %c0_i32_0 : i32, i32, i32
  }
  func.func @transform_1(%arg0: i32) -> (i32, i32, i32) {
    %c0_i32 = arith.constant 0 : i32
    %c0_i32_0 = arith.constant 0 : i32
    %c0_i32_1 = arith.constant 0 : i32
    return %c0_i32, %arg0, %c0_i32_0 : i32, i32, i32
  }
  func.func @transform_2(%arg0: i32) -> (i32, i32) {
    %c0_i32 = arith.constant 0 : i32
    %c0_i32_0 = arith.constant 0 : i32
    return %arg0, %c0_i32 : i32, i32
  }
  func.func @transform_3(%arg0: i32) -> (i32, i32) {
    %c0_i32 = arith.constant 0 : i32
    %c0_i32_0 = arith.constant 0 : i32
    %c0_i32_1 = arith.constant 0 : i32
    return %c0_i32, %c0_i32_0 : i32, i32
  }
  func.func @transform_4(%arg0: i32) -> (i32, i32) {
    %c0_i32 = arith.constant 0 : i32
    %c0_i32_0 = arith.constant 0 : i32
    %c0_i32_1 = arith.constant 0 : i32
    return %c0_i32, %c0_i32_0 : i32, i32
  }
  func.func @transform_5(%arg0: i32) -> (i32, i32) {
    %c0_i32 = arith.constant 0 : i32
    %c0_i32_0 = arith.constant 0 : i32
    %c0_i32_1 = arith.constant 0 : i32
    return %c0_i32, %c0_i32_0 : i32, i32
  }
  func.func @transform_6(%arg0: i32) -> (i32, i32) {
    %c0_i32 = arith.constant 0 : i32
    %c0_i32_0 = arith.constant 0 : i32
    %c0_i32_1 = arith.constant 0 : i32
    return %c0_i32, %c0_i32_0 : i32, i32
  }
  func.func @transform_7(%arg0: i32) -> (i32, i32) {
    %c0_i32 = arith.constant 0 : i32
    %c0_i32_0 = arith.constant 0 : i32
    %c0_i32_1 = arith.constant 0 : i32
    return %c0_i32, %c0_i32_0 : i32, i32
  }
  func.func @transform_8(%arg0: i32) -> (i32, i32) {
    %c0_i32 = arith.constant 0 : i32
    %c0_i32_0 = arith.constant 0 : i32
    %c0_i32_1 = arith.constant 0 : i32
    return %c0_i32, %c0_i32_0 : i32, i32
  }
  func.func @transform_9(%arg0: i32) -> (i32, i32) {
    %c0_i32 = arith.constant 0 : i32
    %c0_i32_0 = arith.constant 0 : i32
    return %arg0, %c0_i32 : i32, i32
  }
}

</mosaic_0001>

<sc_bundles>
// kernel: kernel.4.cloned.1.call-start
scs
__scs_entry_jumppad:
0x0: {  	(pc) =	sbr.rel $0x88, $3  }
0x1: {  	(tag) =	ssettag $0x0;
	lr =	simm.s32 $0x1  }
0x2: {  	[smem:$0x3F98] =	sst lr;
	_ =	strace $0xD0000000  }
0x3: {  	_ = 	snop  }
0x4: {  	_ = 	snop  }
0x5: {  	_ = 	snop  }
0x6: {  	_ = 	snop  }
0x7: {  	_ = 	snop  }
__scs_overlays_trampoline_lowered:
0x8: {  	[smem:$0x3FA7] =	sst s0  }
0x9: {  	[smem:$0x3FA8] =	sst s1  }
0xa: {  	[smem:$0x3FA9] =	sst s2  }
0xb: {  	[smem:$0x3FAA] =	sst s3  }
0xc: {  	[smem:$0x3FAB] =	sst s4  }
0xd: {  	[smem:$0x3FAC] =	sst s5  }
0xe: {  	[smem:$0x3FAD] =	sst s6  }
0xf: {  	[smem:$0x3FAE] =	sst s7  }
0x10: {  	[smem:$0x3FAF] =	sst s8  }
0x11: {  	[smem:$0x3FB0] =	sst s9;
	s0 =	simm.s32 @!p0 $0x0  }
0x12: {  	s1 =	sld [smem:$0x3F96];
	s0 =	simm.s32 @p0 $0x1  }
0x13: {  	[smem:$0x3FB1] =	sst s0;
	s0 =	simm.s32 @!p1 $0x0  }
0x14: {  	s2 =	sld [smem:$0x3F95];
	s0 =	simm.s32 @p1 $0x1  }
0x15: {  	[smem:$0x3FB2] =	sst s0;
	s0 =	simm.s32 @!p2 $0x0  }
0x16: {  	s3 =	sld [smem:$0x3FDB];
	s0 =	simm.s32 @p2 $0x1  }
0x17: {  	s4 =	simm.s32 $0x1BF5;
	[smem:$0x3FB4] =	sst s0  }
0x18: {  	s0 =	sld [smem:$0x3F97];
	_ =	swait.ge [sflag:s4], $0x0  }
0x19: {  	s7 =	sld [smem:$0x3F98]  }
0x1a: {  	s8 =	sadd.s32 $0xFFFFE003, lr  }
0x1b: {  	s9 =	sadd.s32 $0xFFFFFEF7, lr;
	s5 =	simm.s32 $0xFFFFFFFF;
	p2 =	slt.u32 s8, $0xFFFFF086  }
0x1c: {  	p1 =	slt.u32 s9, $0xF7A;
	s5 =	simm.s32 @!p2 $0x0  }
0x1d: {  	s5 =	simm.s32 @p1 $0x1;
	p0 =	seq.s32 s7, s2  }
0x1e: {  	s7 =	smul.u32 @!p0 $0xF7A, s2;
	p2 =	seq.s32 @!p0 s5, $0x0  }
0x1f: {  	s9 =	smul.u32 $0xF7A, s1;
	s8 =	simm.s32 @!p0 $0x1BF5;
	p2 =	por !p2, p0  }
0x20: {  	[sflag:s8] =	ssyncset.s32 @!p0 $0xFFFFF086;
	s6 =	sadd.s32 @!p0 s3, s7;
	s7 =	simm.s32 @!p0 $0x108  }
0x21: {  	s3 =	sadd.s32 s3, s9;
	s6 =	sadd.s32 @!p0 $0x88, s6;
	s7 =	simm.s32 @p2 $0x1082  }
0x22: {  	[simem:s7], [sflag:s8] =	dma.local @!p0 [hbm:s6], $0xF7A  }
0x23: {  	s9 =	sor.u32 $0xD0000000, s2;
	s6 =	simm.s32 $0x108;
	_ =	swait.ge @!p0 [sflag:s8], $0x0  }
0x24: {  	s3 =	sadd.s32 $0x88, s3;
	s6 =	simm.s32 @!p1 $0x1082;
	[sflag:s4] =	ssyncset.s32 $0xFFFFF086  }
0x25: {  	[simem:s6], [sflag:s4] =	dma.local [hbm:s3], $0xF7A  }
0x26: {  	[smem:$0x3F98] =	sst s1;
	(tag) =	ssettag s2;
	_ =	strace s9  }
0x27: {  	s1 =	sld [smem:$0x3FA8]  }
0x28: {  	s2 =	sld [smem:$0x3FA9]  }
0x29: {  	s4 =	sld [smem:$0x3FAB]  }
0x2a: {  	p0 =	seq.s32 s5, $0x0;
	s5 =	sld [smem:$0x3FAC]  }
0x2b: {  	s6 =	sld [smem:$0x3FAD]  }
0x2c: {  	s7 =	sld [smem:$0x3FAE]  }
0x2d: {  	s3 =	simm.s32 $0x108;
	s8 =	sld [smem:$0x3FAF]  }
0x2e: {  	s3 =	simm.s32 @!p0 $0x1082;
	s9 =	sld [smem:$0x3FB0]  }
0x2f: {  	lr =	sadd.s32 s0, s3;
	s0 =	sld [smem:$0x3FA7]  }
0x30: {  	s3 =	sld [smem:$0x3FAA]  }
0x31: {  	[smem:$0x3FB3] =	sst s10  }
0x32: {  	s10 =	sld [smem:$0x3FB1];
	_ =	sdelay $0x3  }
0x33: {  	p0 =	seq.s32 s10, $0x1;
	s10 =	sld [smem:$0x3FB3];
	_ =	sdelay $0x3  }
0x34: {  	[smem:$0x3FB3] =	sst s10  }
0x35: {  	s10 =	sld [smem:$0x3FB2];
	_ =	sdelay $0x3  }
0x36: {  	p1 =	seq.s32 s10, $0x1;
	s10 =	sld [smem:$0x3FB3];
	_ =	sdelay $0x3  }
0x37: {  	[smem:$0x3FB3] =	sst s10  }
0x38: {  	s10 =	sld [smem:$0x3FB4]  }
0x39: {  	_ = 	snop;
	(pc) =	sbr.ind lr, $3  }
0x3a: {  	_ = 	snop  }
0x3b: {  	_ = 	snop  }
0x3c: {  	p2 =	seq.s32 s10, $0x1;
	s10 =	sld [smem:$0x3FB3]  }
0x3d: {  	_ =	shalt  }
0x3e: {  	_ =	shalt  }
0x3f: {  	_ =	shalt  }
0x40: {  	_ =	shalt  }
0x41: {  	_ =	shalt  }
0x42: {  	_ =	shalt  }
0x43: {  	_ =	shalt  }
0x44: {  	_ =	shalt  }
0x45: {  	_ =	shalt  }
0x46: {  	_ =	shalt  }
0x47: {  	_ =	shalt  }
0x48: {  	_ =	shalt  }
0x49: {  	_ =	shalt  }
0x4a: {  	_ =	shalt  }
0x4b: {  	_ =	shalt  }
0x4c: {  	_ =	shalt  }
0x4d: {  	_ =	shalt  }
0x4e: {  	_ =	shalt  }
0x4f: {  	_ =	shalt  }
0x50: {  	_ =	shalt  }
0x51: {  	_ =	shalt  }
0x52: {  	_ =	shalt  }
0x53: {  	_ =	shalt  }
0x54: {  	_ =	shalt  }
0x55: {  	_ =	shalt  }
0x56: {  	_ =	shalt  }
0x57: {  	_ =	shalt  }
0x58: {  	_ =	shalt  }
0x59: {  	_ =	shalt  }
0x5a: {  	_ =	shalt  }
0x5b: {  	_ =	shalt  }
0x5c: {  	_ =	shalt  }
0x5d: {  	_ =	shalt  }
0x5e: {  	_ =	shalt  }
0x5f: {  	_ =	shalt  }
0x60: {  	_ =	shalt  }
0x61: {  	_ =	shalt  }
0x62: {  	_ =	shalt  }
0x63: {  	_ =	shalt  }
0x64: {  	_ =	shalt  }
0x65: {  	_ =	shalt  }
0x66: {  	_ =	shalt  }
0x67: {  	_ =	shalt  }
0x68: {  	_ =	shalt  }
0x69: {  	_ =	shalt  }
0x6a: {  	_ =	shalt  }
0x6b: {  	_ =	shalt  }
0x6c: {  	_ =	shalt  }
0x6d: {  	_ =	shalt  }
0x6e: {  	_ =	shalt  }
0x6f: {  	_ =	shalt  }
0x70: {  	_ =	shalt  }
0x71: {  	_ =	shalt  }
0x72: {  	_ =	shalt  }
0x73: {  	_ =	shalt  }
0x74: {  	_ =	shalt  }
0x75: {  	_ =	shalt  }
0x76: {  	_ =	shalt  }
0x77: {  	_ =	shalt  }
0x78: {  	_ =	shalt  }
0x79: {  	_ =	shalt  }
0x7a: {  	_ =	shalt  }
0x7b: {  	_ =	shalt  }
0x7c: {  	_ =	shalt  }
0x7d: {  	_ =	shalt  }
0x7e: {  	_ =	shalt  }
0x7f: {  	_ =	shalt  }
0x80: {  	_ =	shalt  }
0x81: {  	_ =	shalt  }
0x82: {  	_ =	shalt  }
0x83: {  	_ =	shalt  }
0x84: {  	_ =	shalt  }
0x85: {  	_ =	shalt  }
0x86: {  	_ =	shalt  }
0x87: {  	_ =	shalt  }
.Lfunc_end0:
.L_simem_size_0:
called_computation_lowered:
.L_overlay_start_0:
0x88: {  	s2 =	sld [smem:$0x3FD9]  }
0x89: {  	s3 =	sld [smem:$0x3FFE];
	_ =	sdelay $0x1  }
0x8a: {  	s1 =	srdreg.scid  }
0x8b: {  	s0 =	sand.u32 $0x1, s1  }
0x8c: {  	s17 =	sshll.u32 s0, $0xA;
	s2 =	sadd.s32 s3, s2  }
0x8d: {  	s2 =	sadd.s32 s2, s17  }
0x8e: {  	[smem:$0x3FBF] =	sst s2  }
0x8f: {  	_ = 	snop  }
0x90: {  	s2 =	sld [smem:$0x3FD0];
	(tm) =	ssettm $0x1  }
0x91: {  	s18 =	sld [smem:$0x3FFB];
	_ =	sdelay $0x3  }
0x92: {  	_ =	strace s18  }
0x93: {  	s3 =	sld [smem:$0x3FFC];
	_ =	sdelay $0x3  }
0x94: {  	_ =	strace s3  }
0x95: {  	s3 =	sld [smem:$0x3FFD];
	_ =	sdelay $0x3  }
0x96: {  	_ =	strace s3  }
0x97: {  	_ =	strace $0x8FFFFFFF  }
0x98: {  	s19 =	sld [smem:$0x3FDB];
	_ =	sdelay $0x1  }
0x99: {  	s4 =	simm.s32 $_scs_section_size  }
0x9a: {  	s5 =	simm.s32 $_size__tile_overlayer_lowered;
	s6 =	simm.s32 $_tile_overlayer_lowered  }
0x9b: {  	s22 =	simm.s32 $0x1BFF;
	s21 =	sshll.u32 s6, $0x1;
	s3 =	sadd.s32 s4, s19  }
0x9c: {  	s7 =	simm.s32 $0x0;
	s20 =	sshll.u32 s5, $0x1;
	s5 =	sadd.s32 s21, s3  }
0x9d: {  	[timem:s7], [sflag:s22] =	dma.local [hbm:s5], s20  }
0x9e: {  	_ =	swait.ge [sflag:s22], s20  }
0x9f: {  	s4 =	ssub.s32 $0x0, s20;
	[sflag:s22] =	ssyncset.done $0x0  }
0xa0: {  	[sflag:s22] =	ssyncadd.s32 s4;
	_ =	sdelay $0x1  }
0xa1: {  	s23 =	simm.s32 $0x1B8B  }
0xa2: {  	_ =	swait.ge [sflag:s23], $0x1  }
0xa3: {  	[sflag:s23] =	ssyncset.done $0x0  }
0xa4: {  	s25 =	simm.s32 $0x1B8E;
	s24 =	sld [smem:$0x3FFE];
	[sflag:s23] =	ssyncadd.s32 $0xFFFFFFFF  }
0xa5: {  	s26 =	simm.s32 $execute0_lowered;
	[smem:$0x3FD2] =	sst s25  }
0xa6: {  	s5 =	sshll.u32 s26, $0x1;
	_ =	strace $0x80000046;
	[dreg:$0x1] =	wrdreg $0xFFFFFFFF  }
0xa7: {  	s28 =	simm.s32 $_size_execute0_lowered;
	s3 =	sadd.s32 s3, s5;
	[dreg:$0x0] =	wrdreg $0x0  }
0xa8: {  	s5 =	sshll.u32 s28, $0x1;
	[dreg:$0x2] =	wrdreg s3  }
0xa9: {  	[dreg:$0x3] =	wrdreg s5  }
0xaa: {  	[dreg:$0x4] =	wrdreg $0xC0  }
0xab: {  	_ =	task [dreg:s7], $0x5FFFF  }
0xac: {  	[dreg:$0x1] =	wrdreg $0xFFFFFFFF  }
0xad: {  	[dreg:$0x0] =	wrdreg $0x60  }
0xae: {  	[dreg:$0x2] =	wrdreg s24  }
0xaf: {  	[dreg:$0x3] =	wrdreg s2  }
0xb0: {  	[dreg:$0x4] =	wrdreg $0x110000  }
0xb1: {  	[dreg:$0x5] =	wrdreg $0x160000  }
0xb2: {  	[dreg:$0x6] =	wrdreg $0x9  }
0xb3: {  	_ =	task.clear_ibuf [dreg:s7], $0x7FFFF;
	_ =	strace $0x90000046  }
0xb4: {  	s29 =	simm.s32 $0x9;
	_ =	strace $0x80000048  }
0xb5: {  	_ =	swait.ge [sflag:s29], $0x1  }
0xb6: {  	[sflag:s29] =	ssyncadd.s32 $0xFFFFFFFF  }
0xb7: {  	_ =	strace $0x90000048  }
0xb8: {  	_ =	sfence  }
0xb9: {  	s30 =	sld [smem:$0x0];
	_ =	sdelay $0x2  }
0xba: {  	s31 =	sshll.u32 s1, $0xD;
	s1 =	sshrl.u32 s1, $0x2  }
0xbb: {  	s3 =	sand.u32 $0x4000, s31;
	s1 =	sadd.s32 s1, s30  }
0xbc: {  	s0 =	sor.u32 s3, s0;
	s1 =	sshll.u32 s1, $0x11  }
0xbd: {  	s0 =	sor.u32 s1, s0  }
0xbe: {  	s0 =	sadd.s32 $0x8F2B, s0  }
0xbf: {  	[sflag:s0] =	ssyncadd.remote.s32 $0x1  }
0xc0: {  	_ =	sfence.sel $0xFFFF  }
0xc1: {  	[dreg:$0x0] =	wrdreg $0xFFFFFFFF;
	(pc) =	sbr.abs _section_cstart, $3  }
0xc2: {  	[dreg:$0x1] =	wrdreg $0xFFFFFFFF  }
0xc3: {  	_ =	task.clear_ibuf [dreg:s7], $0x2FFFF;
	_ =	strace $0x9FFFFFFF  }
0xc4: {  	(tm) =	ssettm $0x7FFFFFFF  }
0xc5: {  	_ =	shalt  }
tec
execute0_lowered:
.L_overlay_start_1:
0x0: {  	(tag) =	ssettag $0x1  }
0x1: {  	s0 =	rddreg [dreg:$0x0]  }
0x2: {  	s1 =	rddreg [dreg:$0x1]  }
0x3: {  	s2 =	rddreg [dreg:$0x2]  }
0x4: {  	s3 =	rddreg [dreg:$0x3]  }
0x5: {  	s10 =	stileid.u32;
	s6 =	simm.s32 $0x0;
	s5 =	srdreg.scid  }
0x6: {  	s4 =	smul.u32 $0x2800, s10;
	[smem:$0x7FF] =	sst s6  }
0x7: {  	s7 =	sand.u32 $0x1, s5;
	s5 =	sadd.s32 $0x1C600, s0;
	s9 =	sadd.s32 $0x8600, s0  }
0x8: {  	s6 =	sadd.s32 $0x7400, s0;
	s12 =	sadd.s32 $0x1A00, s0;
	s26 =	sadd.s32 $0x48800, s0  }
0x9: {  	s31 =	smul.u32 $0xA000, s10;
	_ =	strace $0x80000047;
	[dreg:$0x5] =	wrdreg s12  }
0xa: {  	s8 =	smul.u32 $0x28000, s7;
	[dreg:$0x6] =	wrdreg s26;
	s18 =	ssub.s32 $0x2, s7  }
0xb: {  	s13 =	smul.u32 $0xA0000, s7;
	s14 =	sor.u32 $0x2, s7;
	s25 =	sshrl.u32 s4, $0x3  }
0xc: {  	s15 =	sshrl.u32 s18, $0x1;
	s16 =	smul.u32 $0x28000, s14;
	s17 =	sshrl.u32 s31, $0x1  }
0xd: {  	s26 =	sshll.u32 s14, $0x8;
	s11 =	sadd.s32 s25, s0;
	s8 =	sadd.s32 s4, s8  }
0xe: {  	s15 =	ssub.s32 s18, s15;
	s18 =	smul.u32 $0xA0000, s14;
	s20 =	sadd.s32 s17, s2  }
0xf: {  	s21 =	sadd.s32 s31, s13;
	[dreg:$0xe] =	wrdreg s26;
	s8 =	sshrl.u32 s8, $0x3  }
0x10: {  	s19 =	sadd.s32 $0x43800, s11;
	[dreg:$0x9] =	wrdreg s20;
	s22 =	sadd.s32 s4, s16  }
0x11: {  	s24 =	sadd.s32 $0x2400, s11;
	s16 =	sshll.u32 s7, $0x8;
	[dreg:$0x8] =	wrdreg s19  }
0x12: {  	s0 =	sadd.s32 s8, s0;
	s8 =	sadd.s32 s9, s8;
	[dreg:$0xd] =	wrdreg s24  }
0x13: {  	s12 =	sadd.s32 s31, s18;
	s31 =	sor.u32 $0x2800, s16;
	[dreg:$0x7] =	wrdreg s8  }
0x14: {  	s10 =	sor.u32 $0x600, s16;
	[dreg:$0xf] =	wrdreg s31  }
0x15: {  	s11 =	sor.u32 $0x2A00, s16;
	[dreg:$0x13] =	wrdreg s10  }
0x16: {  	s14 =	sor.u32 $0xA00, s16;
	[dreg:$0x14] =	wrdreg s11  }
0x17: {  	s17 =	sor.u32 $0xC00, s16;
	[dreg:$0x17] =	wrdreg s14  }
0x18: {  	s18 =	sor.u32 $0x3000, s16;
	[dreg:$0x19] =	wrdreg s17  }
0x19: {  	s19 =	sor.u32 $0xE00, s16;
	[dreg:$0x1a] =	wrdreg s18  }
0x1a: {  	s20 =	sor.u32 $0x3200, s16;
	[dreg:$0x1b] =	wrdreg s19  }
0x1b: {  	s13 =	sshrl.u32 s22, $0x3;
	s22 =	sor.u32 $0x3400, s16;
	[dreg:$0x1c] =	wrdreg s20  }
0x1c: {  	s24 =	sor.u32 $0x3600, s16;
	[dreg:$0x1e] =	wrdreg s22  }
0x1d: {  	s26 =	sor.u32 $0x1400, s16;
	[smem:$0x7E7] =	sst s24  }
0x1e: {  	s7 =	sor.u32 $0x3A00, s16;
	[smem:$0x7E8] =	sst s26  }
0x1f: {  	s23 =	sadd.s32 s9, s13;
	[smem:$0x7EB] =	sst s7  }
0x20: {  	s0 =	sadd.s32 $0x48E00, s0;
	[dreg:$0xb] =	wrdreg s23  }
0x21: {  	s9 =	sor.u32 $0x400, s16;
	[dreg:$0x10] =	wrdreg s0  }
0x22: {  	s13 =	sor.u32 $0x2C00, s16;
	[dreg:$0x12] =	wrdreg s9  }
0x23: {  	s8 =	sshrl.u32 s21, $0x4;
	s21 =	sor.u32 $0x1000, s16;
	[dreg:$0x16] =	wrdreg s13  }
0x24: {  	s31 =	sor.u32 $0x3800, s16;
	[dreg:$0x1d] =	wrdreg s21  }
0x25: {  	s10 =	sor.u32 $0x1A00, s16;
	[smem:$0x7E9] =	sst s31  }
0x26: {  	s11 =	sor.u32 $0x3E00, s16;
	[smem:$0x7EE] =	sst s10  }
0x27: {  	s14 =	sor.u32 $0x1E00, s16;
	[smem:$0x7EF] =	sst s11  }
0x28: {  	s28 =	simm.s32 $0x5;
	s17 =	sor.u32 $0x2000, s16;
	[smem:$0x7F2] =	sst s14  }
0x29: {  	s30 =	simm.s32 $0x3;
	s18 =	sor.u32 $0x4400, s16;
	[smem:$0x7F4] =	sst s17  }
0x2a: {  	s29 =	simm.s32 $0x0;
	s19 =	sor.u32 $0x2200, s16;
	[smem:$0x7F5] =	sst s18  }
0x2b: {  	s25 =	sadd.s32 s4, s3;
	s20 =	sor.u32 $0x4600, s16;
	[smem:$0x7F6] =	sst s19  }
0x2c: {  	s4 =	simm.s32 $0x0;
	s22 =	sor.u32 $0x4800, s16;
	[smem:$0x7F7] =	sst s20  }
0x2d: {  	s25 =	sshrl.u32 s25, $0x3;
	s24 =	sor.u32 $0x4A00, s16;
	[smem:$0x7F9] =	sst s22  }
0x2e: {  	s12 =	sshrl.u32 s12, $0x4;
	s26 =	sor.u32 $0x4C00, s16;
	[smem:$0x7FB] =	sst s24  }
0x2f: {  	s8 =	sadd.s32 s1, s8;
	s1 =	sadd.s32 s1, s12;
	[smem:$0x7FC] =	sst s26  }
0x30: {  	s12 =	sor.u32 $0x800, s16;
	s23 =	sor.u32 $0x1200, s16;
	[dreg:$0xa] =	wrdreg s8  }
0x31: {  	s9 =	sor.u32 $0x3C00, s16;
	s13 =	sor.u32 $0x4000, s16;
	[dreg:$0xc] =	wrdreg s1  }
0x32: {  	s21 =	sor.u32 $0x2400, s16;
	s31 =	sor.u32 $0x4E00, s16;
	[dreg:$0x15] =	wrdreg s12  }
0x33: {  	s14 =	simm.s32 $0x2800;
	s17 =	simm.s32 $0x5000;
	[dreg:$0x1f] =	wrdreg s23  }
0x34: {  	s18 =	simm.s32 $0x7000;
	s20 =	simm.s32 $0x9000;
	[smem:$0x7ED] =	sst s9  }
0x35: {  	s24 =	simm.s32 $0x2;
	s0 =	simm.s32 $0x6;
	[smem:$0x7F1] =	sst s13  }
0x36: {  	s19 =	simm.s32 $0x4;
	s11 =	simm.s32 $0x8;
	[smem:$0x7F8] =	sst s21  }
0x37: {  	s22 =	simm.s32 $0xE000;
	s8 =	smax.u32 s15, $0x1;
	[smem:$0x7FD] =	sst s31  }
0x38: {  	s26 =	simm.s32 $0x10000;
	s15 =	sor.u32 $0x2E00, s16;
	[dreg:$0x11] =	wrdreg s8  }
0x39: {  	s1 =	sor.u32 $0x1600, s16;
	s12 =	sor.u32 $0x1C00, s16;
	[dreg:$0x18] =	wrdreg s15  }
0x3a: {  	s23 =	sor.u32 $0x2600, s16;
	s13 =	simm.s32 $0x9;
	[smem:$0x7EA] =	sst s1  }
0x3b: {  	s21 =	simm.s32 $0x1;
	s9 =	simm.s32 $0x7;
	[smem:$0x7F0] =	sst s12  }
0x3c: {  	s8 =	sor.u32 $0x1800, s16;
	s15 =	sor.u32 $0x4200, s16;
	[smem:$0x7FA] =	sst s23  }
0x3d: {  	s23 =	simm.s32 $0xB000;
	s12 =	simm.s32 $0xF000;
	[smem:$0x7EC] =	sst s8  }
0x3e: {  	[smem:$0x7F3] =	sst s15;
	s15 =	simm.s32 $0x100;
	s8 =	simm.s32 $0xD000  }
.LBB2_1:
0x3f: {  	s1 =	rddreg [dreg:$0x7]  }
0x40: {  	[tilespmem:s4], [sflag:$0x9] =	stream.linear.gather [hbm4b:s1+s4], $0x2800, $0x38;
	[tilespmem:$0x18800] =	vst v63  }
0x41: {  	_ =	swait.ge [sflag:s13], $0x2800  }
0x42: {  	[sflag:s13] =	ssyncset.done $0x0  }
0x43: {  	s7 =	stileid.u32;
	s10 =	rddreg [dreg:$0x8];
	[sflag:s13] =	ssyncadd.s32 $0xFFFFD800  }
0x44: {  	[tilespmem:s14], [sflag:$0x9] =	stream.linear.gather [hbm4b:s10+s4], $0x2800, $0x38;
	[tilespmem:$0x18800] =	vst v63  }
0x45: {  	s1 =	sshll.u32 s7, $0x6;
	_ =	swait.ge [sflag:s13], $0x2800  }
0x46: {  	s31 =	sor.u32 $0x1C09, s1;
	[sflag:s13] =	ssyncset.done $0x0;
	s10 =	rddreg [dreg:$0x9]  }
0x47: {  	s7 =	rddreg [dreg:$0x5];
	[sflag:s13] =	ssyncadd.s32 $0xFFFFD800;
	s1 =	sshrl.u32 s10, $0x3  }
0x48: {  	[spmem:s1], [sflag:s31] =	dma.local [hbm:s7], $0xA00  }
0x49: {  	_ =	swait.ge [sflag:s13], $0xA00  }
0x4a: {  	[sflag:s13] =	ssyncset.done $0x0  }
0x4b: {  	[sflag:s13] =	ssyncadd.s32 $0xFFFFF600  }
0x4c: {  	[bflag:$0x0] =	sbarrier.arrive $0xFFFF  }
0x4d: {  	[tilespmem:s17], [sflag:$0x1] =	stream.indirect.gather [hbm4b:s5+s15], $0x20, s4, s15, $0xb8;
	[tilespmem:$0x18800] =	vst v63  }
0x4e: {  	_ = 	snop  }
0x4f: {  	[tilespmem:s18], [sflag:$0x2] =	stream.indirect.gather [hbm4b:s5+s15], $0x20, s15, s15, $0xb8;
	[tilespmem:$0x18800] =	vst v63  }
0x50: {  	s7 =	simm.s32 $0x200  }
0x51: {  	[tilespmem:s20], [sflag:$0x3] =	stream.indirect.gather [hbm4b:s5+s15], $0x20, s7, s15, $0xb8;
	[tilespmem:$0x18800] =	vst v63  }
0x52: {  	_ =	swait.ge [sflag:s21], $0x2000  }
0x53: {  	[sflag:s21] =	ssyncset.done $0x0  }
0x54: {  	[sflag:s21] =	ssyncadd.s32 $0xFFFFE000  }
0x55: {  	[spmem:s2] =	stream.indirect.scatter.add.bf16 [tilespmem:s17], [sflag:$0x5], $0x20, s14, s15, $0xb8;
	[tilespmem:$0x18800] =	vst v63  }
0x56: {  	s10 =	simm.s32 $0x300  }
0x57: {  	[tilespmem:s23], [sflag:$0x4] =	stream.indirect.gather [hbm4b:s5+s15], $0x20, s10, s15, $0xb8;
	[tilespmem:$0x18800] =	vst v63  }
0x58: {  	_ =	swait.ge [sflag:s24], $0x2000  }
0x59: {  	[sflag:s24] =	ssyncset.done $0x0  }
0x5a: {  	s7 =	simm.s32 $0x2900;
	[sflag:s24] =	ssyncadd.s32 $0xFFFFE000  }
0x5b: {  	[spmem:s2] =	stream.indirect.scatter.add.bf16 [tilespmem:s18], [sflag:$0x6], $0x20, s7, s15, $0xb8;
	[tilespmem:$0x18800] =	vst v63  }
0x5c: {  	_ =	swait.ge [sflag:s28], $0x2000  }
0x5d: {  	[sflag:s28] =	ssyncset.done $0x0  }
0x5e: {  	s10 =	simm.s32 $0x400;
	[sflag:s28] =	ssyncadd.s32 $0xFFFFE000  }
0x5f: {  	[tilespmem:s17], [sflag:$0x1] =	stream.indirect.gather [hbm4b:s5+s15], $0x20, s10, s15, $0xb8;
	[tilespmem:$0x18800] =	vst v63  }
0x60: {  	_ =	swait.ge [sflag:s30], $0x2000  }
0x61: {  	[sflag:s30] =	ssyncset.done $0x0  }
0x62: {  	s7 =	simm.s32 $0x2A00;
	[sflag:s30] =	ssyncadd.s32 $0xFFFFE000  }
0x63: {  	[spmem:s2] =	stream.indirect.scatter.add.bf16 [tilespmem:s20], [sflag:$0x7], $0x20, s7, s15, $0xb8;
	[tilespmem:$0x18800] =	vst v63  }
0x64: {  	_ =	swait.ge [sflag:s0], $0x2000  }
0x65: {  	[sflag:s0] =	ssyncset.done $0x0  }
0x66: {  	s10 =	simm.s32 $0x500;
	[sflag:s0] =	ssyncadd.s32 $0xFFFFE000  }
0x67: {  	[tilespmem:s18], [sflag:$0x2] =	stream.indirect.gather [hbm4b:s5+s15], $0x20, s10, s15, $0xb8;
	[tilespmem:$0x18800] =	vst v63  }
0x68: {  	_ =	swait.ge [sflag:s19], $0x2000  }
0x69: {  	[sflag:s19] =	ssyncset.done $0x0  }
0x6a: {  	s7 =	simm.s32 $0x2B00;
	[sflag:s19] =	ssyncadd.s32 $0xFFFFE000  }
0x6b: {  	[spmem:s2] =	stream.indirect.scatter.add.bf16 [tilespmem:s23], [sflag:$0x8], $0x20, s7, s15, $0xb8;
	[tilespmem:$0x18800] =	vst v63  }
0x6c: {  	_ =	swait.ge [sflag:s9], $0x2000  }
0x6d: {  	[sflag:s9] =	ssyncset.done $0x0  }
0x6e: {  	s10 =	simm.s32 $0x600;
	[sflag:s9] =	ssyncadd.s32 $0xFFFFE000  }
0x6f: {  	[tilespmem:s20], [sflag:$0x3] =	stream.indirect.gather [hbm4b:s5+s15], $0x20, s10, s15, $0xb8;
	[tilespmem:$0x18800] =	vst v63  }
0x70: {  	_ =	swait.ge [sflag:s21], $0x2000  }
0x71: {  	[sflag:s21] =	ssyncset.done $0x0  }
0x72: {  	s7 =	simm.s32 $0x2C00;
	[sflag:s21] =	ssyncadd.s32 $0xFFFFE000  }
0x73: {  	[spmem:s2] =	stream.indirect.scatter.add.bf16 [tilespmem:s17], [sflag:$0x5], $0x20, s7, s15, $0xb8;
	[tilespmem:$0x18800] =	vst v63  }
0x74: {  	_ =	swait.ge [sflag:s11], $0x2000  }
0x75: {  	[sflag:s11] =	ssyncset.done $0x0  }
0x76: {  	s10 =	simm.s32 $0x700;
	[sflag:s11] =	ssyncadd.s32 $0xFFFFE000  }
0x77: {  	[tilespmem:s23], [sflag:$0x4] =	stream.indirect.gather [hbm4b:s5+s15], $0x20, s10, s15, $0xb8;
	[tilespmem:$0x18800] =	vst v63  }
0x78: {  	_ =	swait.ge [sflag:s24], $0x2000  }
0x79: {  	[sflag:s24] =	ssyncset.done $0x0  }
0x7a: {  	s7 =	simm.s32 $0x2D00;
	[sflag:s24] =	ssyncadd.s32 $0xFFFFE000  }
0x7b: {  	[spmem:s2] =	stream.indirect.scatter.add.bf16 [tilespmem:s18], [sflag:$0x6], $0x20, s7, s15, $0xb8;
	[tilespmem:$0x18800] =	vst v63  }
0x7c: {  	_ =	swait.ge [sflag:s28], $0x2000  }
0x7d: {  	[sflag:s28] =	ssyncset.done $0x0  }
0x7e: {  	s10 =	simm.s32 $0x800;
	[sflag:s28] =	ssyncadd.s32 $0xFFFFE000  }
0x7f: {  	[tilespmem:s17], [sflag:$0x1] =	stream.indirect.gather [hbm4b:s5+s15], $0x20, s10, s15, $0xb8;
	[tilespmem:$0x18800] =	vst v63  }
0x80: {  	_ =	swait.ge [sflag:s30], $0x2000  }
0x81: {  	[sflag:s30] =	ssyncset.done $0x0  }
0x82: {  	s7 =	simm.s32 $0x2E00;
	[sflag:s30] =	ssyncadd.s32 $0xFFFFE000  }
0x83: {  	[spmem:s2] =	stream.indirect.scatter.add.bf16 [tilespmem:s20], [sflag:$0x7], $0x20, s7, s15, $0xb8;
	[tilespmem:$0x18800] =	vst v63  }
0x84: {  	_ =	swait.ge [sflag:s0], $0x2000  }
0x85: {  	[sflag:s0] =	ssyncset.done $0x0  }
0x86: {  	s10 =	simm.s32 $0x900;
	[sflag:s0] =	ssyncadd.s32 $0xFFFFE000  }
0x87: {  	[tilespmem:s18], [sflag:$0x2] =	stream.indirect.gather [hbm4b:s5+s15], $0x20, s10, s15, $0xb8;
	[tilespmem:$0x18800] =	vst v63  }
0x88: {  	_ =	swait.ge [sflag:s19], $0x2000  }
0x89: {  	[sflag:s19] =	ssyncset.done $0x0  }
0x8a: {  	s4 =	simm.s32 $0x1000;
	s7 =	simm.s32 $0x2F00;
	[sflag:s19] =	ssyncadd.s32 $0xFFFFE000  }
.LBB2_2:
0x8b: {  	[spmem:s2] =	stream.indirect.scatter.add.bf16 [tilespmem:s23], [sflag:$0x8], $0x20, s7, s15, $0xb8;
	[tilespmem:$0x18800] =	vst v63  }
0x8c: {  	s7 =	smov.u32 s4  }
0x8d: {  	p0 =	sne.s32 s4, $0x7000;
	s4 =	sadd.s32 $0x1000, s4;
	_ =	swait.ge [sflag:s9], $0x2000  }
0x8e: {  	s7 =	sshra.s32 s7, $0x2;
	[sflag:s9] =	ssyncset.done $0x0  }
0x8f: {  	s10 =	sadd.s32 $0x600, s7;
	[sflag:s9] =	ssyncadd.s32 $0xFFFFE000  }
0x90: {  	[tilespmem:s20], [sflag:$0x3] =	stream.indirect.gather [hbm4b:s5+s15], $0x20, s10, s15, $0xb8;
	[tilespmem:$0x18800] =	vst v63  }
0x91: {  	_ =	swait.ge [sflag:s21], $0x2000  }
0x92: {  	[sflag:s21] =	ssyncset.done $0x0  }
0x93: {  	s10 =	sadd.s32 $0x2C00, s7;
	[sflag:s21] =	ssyncadd.s32 $0xFFFFE000  }
0x94: {  	[spmem:s2] =	stream.indirect.scatter.add.bf16 [tilespmem:s17], [sflag:$0x5], $0x20, s10, s15, $0xb8;
	[tilespmem:$0x18800] =	vst v63  }
0x95: {  	_ =	swait.ge [sflag:s11], $0x2000  }
0x96: {  	[sflag:s11] =	ssyncset.done $0x0  }
0x97: {  	s10 =	sadd.s32 $0x700, s7;
	[sflag:s11] =	ssyncadd.s32 $0xFFFFE000  }
0x98: {  	[tilespmem:s23], [sflag:$0x4] =	stream.indirect.gather [hbm4b:s5+s15], $0x20, s10, s15, $0xb8;
	[tilespmem:$0x18800] =	vst v63  }
0x99: {  	_ =	swait.ge [sflag:s24], $0x2000  }
0x9a: {  	[sflag:s24] =	ssyncset.done $0x0  }
0x9b: {  	s10 =	sadd.s32 $0x2D00, s7;
	[sflag:s24] =	ssyncadd.s32 $0xFFFFE000  }
0x9c: {  	[spmem:s2] =	stream.indirect.scatter.add.bf16 [tilespmem:s18], [sflag:$0x6], $0x20, s10, s15, $0xb8;
	[tilespmem:$0x18800] =	vst v63  }
0x9d: {  	_ =	swait.ge [sflag:s28], $0x2000  }
0x9e: {  	[sflag:s28] =	ssyncset.done $0x0  }
0x9f: {  	s10 =	sadd.s32 $0x800, s7;
	[sflag:s28] =	ssyncadd.s32 $0xFFFFE000  }
0xa0: {  	[tilespmem:s17], [sflag:$0x1] =	stream.indirect.gather [hbm4b:s5+s15], $0x20, s10, s15, $0xb8;
	[tilespmem:$0x18800] =	vst v63  }
0xa1: {  	_ =	swait.ge [sflag:s30], $0x2000  }
0xa2: {  	[sflag:s30] =	ssyncset.done $0x0  }
0xa3: {  	s10 =	sadd.s32 $0x2E00, s7;
	[sflag:s30] =	ssyncadd.s32 $0xFFFFE000  }
0xa4: {  	[spmem:s2] =	stream.indirect.scatter.add.bf16 [tilespmem:s20], [sflag:$0x7], $0x20, s10, s15, $0xb8;
	[tilespmem:$0x18800] =	vst v63  }
0xa5: {  	_ =	swait.ge [sflag:s0], $0x2000  }
0xa6: {  	[sflag:s0] =	ssyncset.done $0x0  }
.Ltmp0:
0xa7: {  	s10 =	sadd.s32 $0x900, s7;
	[sflag:s0] =	ssyncadd.s32 $0xFFFFE000;
	(pc) =	sbr.rel @p0 .LBB2_2-.Ltmp0, $4  }
0xa8: {  	[tilespmem:s18], [sflag:$0x2] =	stream.indirect.gather [hbm4b:s5+s15], $0x20, s10, s15, $0xb8;
	[tilespmem:$0x18800] =	vst v63  }
0xa9: {  	_ =	swait.ge [sflag:s19], $0x2000  }
0xaa: {  	[sflag:s19] =	ssyncset.done $0x0  }
0xab: {  	s7 =	sadd.s32 $0x2F00, s7;
	[sflag:s19] =	ssyncadd.s32 $0xFFFFE000  }
0xac: {  	[spmem:s2] =	stream.indirect.scatter.add.bf16 [tilespmem:s23], [sflag:$0x8], $0x20, s7, s15, $0xb8;
	[tilespmem:$0x18800] =	vst v63  }
0xad: {  	_ =	swait.ge [sflag:s9], $0x2000  }
0xae: {  	[sflag:s9] =	ssyncset.done $0x0  }
0xaf: {  	s4 =	simm.s32 $0x2600;
	[sflag:s9] =	ssyncadd.s32 $0xFFFFE000  }
0xb0: {  	[tilespmem:s20], [sflag:$0x3] =	stream.indirect.gather [hbm4b:s5+s15], $0x20, s4, s15, $0xb8;
	[tilespmem:$0x18800] =	vst v63  }
0xb1: {  	_ =	swait.ge [sflag:s21], $0x2000  }
0xb2: {  	[sflag:s21] =	ssyncset.done $0x0  }
0xb3: {  	s10 =	simm.s32 $0x4C00;
	[sflag:s21] =	ssyncadd.s32 $0xFFFFE000  }
0xb4: {  	[spmem:s2] =	stream.indirect.scatter.add.bf16 [tilespmem:s17], [sflag:$0x5], $0x20, s10, s15, $0xb8;
	[tilespmem:$0x18800] =	vst v63  }
0xb5: {  	_ =	swait.ge [sflag:s11], $0x2000  }
0xb6: {  	[sflag:s11] =	ssyncset.done $0x0  }
0xb7: {  	s7 =	simm.s32 $0x2700;
	[sflag:s11] =	ssyncadd.s32 $0xFFFFE000  }
0xb8: {  	[tilespmem:s23], [sflag:$0x4] =	stream.indirect.gather [hbm4b:s5+s15], $0x20, s7, s15, $0xb8;
	[tilespmem:$0x18800] =	vst v63  }
0xb9: {  	_ =	swait.ge [sflag:s24], $0x2000  }
0xba: {  	[sflag:s24] =	ssyncset.done $0x0  }
0xbb: {  	s10 =	simm.s32 $0x4D00;
	[sflag:s24] =	ssyncadd.s32 $0xFFFFE000  }
0xbc: {  	[spmem:s2] =	stream.indirect.scatter.add.bf16 [tilespmem:s18], [sflag:$0x6], $0x20, s10, s15, $0xb8;
	[tilespmem:$0x18800] =	vst v63  }
0xbd: {  	_ =	swait.ge [sflag:s28], $0x2000  }
0xbe: {  	[sflag:s28] =	ssyncset.done $0x0  }
0xbf: {  	[sflag:s28] =	ssyncadd.s32 $0xFFFFE000  }
0xc0: {  	_ =	swait.ge [sflag:s30], $0x2000  }
0xc1: {  	[sflag:s30] =	ssyncset.done $0x0  }
0xc2: {  	s7 =	simm.s32 $0x4E00;
	[sflag:s30] =	ssyncadd.s32 $0xFFFFE000  }
0xc3: {  	[spmem:s2] =	stream.indirect.scatter.add.bf16 [tilespmem:s20], [sflag:$0x7], $0x20, s7, s15, $0xb8;
	[tilespmem:$0x18800] =	vst v63  }
0xc4: {  	_ =	swait.ge [sflag:s0], $0x2000  }
0xc5: {  	[sflag:s0] =	ssyncset.done $0x0  }
0xc6: {  	[sflag:s0] =	ssyncadd.s32 $0xFFFFE000  }
0xc7: {  	_ =	swait.ge [sflag:s19], $0x2000  }
0xc8: {  	[sflag:s19] =	ssyncset.done $0x0  }
0xc9: {  	s10 =	simm.s32 $0x4F00;
	[sflag:s19] =	ssyncadd.s32 $0xFFFFE000  }
0xca: {  	[spmem:s2] =	stream.indirect.scatter.add.bf16 [tilespmem:s23], [sflag:$0x8], $0x20, s10, s15, $0xb8;
	[tilespmem:$0x18800] =	vst v63  }
0xcb: {  	_ =	swait.ge [sflag:s9], $0x2000  }
0xcc: {  	[sflag:s9] =	ssyncset.done $0x0  }
0xcd: {  	[sflag:s9] =	ssyncadd.s32 $0xFFFFE000  }
0xce: {  	_ =	swait.ge [sflag:s11], $0x2000  }
0xcf: {  	[sflag:s11] =	ssyncset.done $0x0  }
0xd0: {  	[sflag:s11] =	ssyncadd.s32 $0xFFFFE000  }
0xd1: {  	[bflag:$0x0] =	sbarrier.arrive $0xFFFF  }
0xd2: {  	s7 =	rddreg [dreg:$0xa]  }
0xd3: {  	[hbm:s7], [sflag:s31] =	dma.local [spmem:s1], $0xA00  }
0xd4: {  	_ =	swait.ge [sflag:s13], $0xA00  }
0xd5: {  	[sflag:s13] =	ssyncset.done $0x0  }
0xd6: {  	[sflag:s13] =	ssyncadd.s32 $0xFFFFF600  }
0xd7: {  	[bflag:$0x0] =	sbarrier.arrive $0xFFFF  }
0xd8: {  	s4 =	simm.s32 $0x0;
	s10 =	rddreg [dreg:$0xb]  }
0xd9: {  	[tilespmem:s4], [sflag:$0x9] =	stream.linear.gather [hbm4b:s10+s4], $0x2800, $0x38;
	[tilespmem:$0x18800] =	vst v63  }
0xda: {  	_ =	swait.ge [sflag:s13], $0x2800  }
0xdb: {  	[sflag:s13] =	ssyncset.done $0x0  }
0xdc: {  	s10 =	rddreg [dreg:$0x8];
	[sflag:s13] =	ssyncadd.s32 $0xFFFFD800  }
0xdd: {  	[tilespmem:s14], [sflag:$0x9] =	stream.linear.gather [hbm4b:s10+s4], $0x2800, $0x38;
	[tilespmem:$0x18800] =	vst v63  }
0xde: {  	_ =	swait.ge [sflag:s13], $0x2800  }
0xdf: {  	[sflag:s13] =	ssyncset.done $0x0  }
0xe0: {  	s10 =	rddreg [dreg:$0x5];
	[sflag:s13] =	ssyncadd.s32 $0xFFFFD800  }
0xe1: {  	[spmem:s1], [sflag:s31] =	dma.local [hbm:s10], $0xA00  }
0xe2: {  	_ =	swait.ge [sflag:s13], $0xA00  }
0xe3: {  	[sflag:s13] =	ssyncset.done $0x0  }
0xe4: {  	[sflag:s13] =	ssyncadd.s32 $0xFFFFF600  }
0xe5: {  	[bflag:$0x0] =	sbarrier.arrive $0xFFFF  }
0xe6: {  	[tilespmem:s17], [sflag:$0x1] =	stream.indirect.gather [hbm4b:s5+s15], $0x20, s4, s15, $0xb8;
	[tilespmem:$0x18800] =	vst v63  }
0xe7: {  	_ = 	snop  }
0xe8: {  	[tilespmem:s18], [sflag:$0x2] =	stream.indirect.gather [hbm4b:s5+s15], $0x20, s15, s15, $0xb8;
	[tilespmem:$0x18800] =	vst v63  }
0xe9: {  	s7 =	simm.s32 $0x200  }
0xea: {  	[tilespmem:s20], [sflag:$0x3] =	stream.indirect.gather [hbm4b:s5+s15], $0x20, s7, s15, $0xb8;
	[tilespmem:$0x18800] =	vst v63  }
0xeb: {  	_ =	swait.ge [sflag:s21], $0x2000  }
0xec: {  	[sflag:s21] =	ssyncset.done $0x0  }
0xed: {  	[sflag:s21] =	ssyncadd.s32 $0xFFFFE000  }
0xee: {  	[spmem:s2] =	stream.indirect.scatter.add.bf16 [tilespmem:s17], [sflag:$0x5], $0x20, s14, s15, $0xb8;
	[tilespmem:$0x18800] =	vst v63  }
0xef: {  	s10 =	simm.s32 $0x300  }
0xf0: {  	[tilespmem:s23], [sflag:$0x4] =	stream.indirect.gather [hbm4b:s5+s15], $0x20, s10, s15, $0xb8;
	[tilespmem:$0x18800] =	vst v63  }
0xf1: {  	_ =	swait.ge [sflag:s24], $0x2000  }
0xf2: {  	[sflag:s24] =	ssyncset.done $0x0  }
0xf3: {  	s7 =	simm.s32 $0x2900;
	[sflag:s24] =	ssyncadd.s32 $0xFFFFE000  }
0xf4: {  	[spmem:s2] =	stream.indirect.scatter.add.bf16 [tilespmem:s18], [sflag:$0x6], $0x20, s7, s15, $0xb8;
	[tilespmem:$0x18800] =	vst v63  }
0xf5: {  	_ =	swait.ge [sflag:s28], $0x2000  }
0xf6: {  	[sflag:s28] =	ssyncset.done $0x0  }
0xf7: {  	s10 =	simm.s32 $0x400;
	[sflag:s28] =	ssyncadd.s32 $0xFFFFE000  }
0xf8: {  	[tilespmem:s17], [sflag:$0x1] =	stream.indirect.gather [hbm4b:s5+s15], $0x20, s10, s15, $0xb8;
	[tilespmem:$0x18800] =	vst v63  }
0xf9: {  	_ =	swait.ge [sflag:s30], $0x2000  }
0xfa: {  	[sflag:s30] =	ssyncset.done $0x0  }
0xfb: {  	s7 =	simm.s32 $0x2A00;
	[sflag:s30] =	ssyncadd.s32 $0xFFFFE000  }
0xfc: {  	[spmem:s2] =	stream.indirect.scatter.add.bf16 [tilespmem:s20], [sflag:$0x7], $0x20, s7, s15, $0xb8;
	[tilespmem:$0x18800] =	vst v63  }
0xfd: {  	_ =	swait.ge [sflag:s0], $0x2000  }
0xfe: {  	[sflag:s0] =	ssyncset.done $0x0  }
0xff: {  	s10 =	simm.s32 $0x500;
	[sflag:s0] =	ssyncadd.s32 $0xFFFFE000  }
0x100: {  	[tilespmem:s18], [sflag:$0x2] =	stream.indirect.gather [hbm4b:s5+s15], $0x20, s10, s15, $0xb8;
	[tilespmem:$0x18800] =	vst v63  }
0x101: {  	_ =	swait.ge [sflag:s19], $0x2000  }
0x102: {  	[sflag:s19] =	ssyncset.done $0x0  }
0x103: {  	s7 =	simm.s32 $0x2B00;
	[sflag:s19] =	ssyncadd.s32 $0xFFFFE000  }
0x104: {  	[spmem:s2] =	stream.indirect.scatter.add.bf16 [tilespmem:s23], [sflag:$0x8], $0x20, s7, s15, $0xb8;
	[tilespmem:$0x18800] =	vst v63  }
0x105: {  	_ =	swait.ge [sflag:s9], $0x2000  }
0x106: {  	[sflag:s9] =	ssyncset.done $0x0  }
0x107: {  	s10 =	simm.s32 $0x600;
	[sflag:s9] =	ssyncadd.s32 $0xFFFFE000  }
0x108: {  	[tilespmem:s20], [sflag:$0x3] =	stream.indirect.gather [hbm4b:s5+s15], $0x20, s10, s15, $0xb8;
	[tilespmem:$0x18800] =	vst v63  }
0x109: {  	_ =	swait.ge [sflag:s21], $0x2000  }
0x10a: {  	[sflag:s21] =	ssyncset.done $0x0  }
0x10b: {  	s7 =	simm.s32 $0x2C00;
	[sflag:s21] =	ssyncadd.s32 $0xFFFFE000  }
0x10c: {  	[spmem:s2] =	stream.indirect.scatter.add.bf16 [tilespmem:s17], [sflag:$0x5], $0x20, s7, s15, $0xb8;
	[tilespmem:$0x18800] =	vst v63  }
0x10d: {  	_ =	swait.ge [sflag:s11], $0x2000  }
0x10e: {  	[sflag:s11] =	ssyncset.done $0x0  }
0x10f: {  	s10 =	simm.s32 $0x700;
	[sflag:s11] =	ssyncadd.s32 $0xFFFFE000  }
0x110: {  	[tilespmem:s23], [sflag:$0x4] =	stream.indirect.gather [hbm4b:s5+s15], $0x20, s10, s15, $0xb8;
	[tilespmem:$0x18800] =	vst v63  }
0x111: {  	_ =	swait.ge [sflag:s24], $0x2000  }
0x112: {  	[sflag:s24] =	ssyncset.done $0x0  }
0x113: {  	s7 =	simm.s32 $0x2D00;
	[sflag:s24] =	ssyncadd.s32 $0xFFFFE000  }
0x114: {  	[spmem:s2] =	stream.indirect.scatter.add.bf16 [tilespmem:s18], [sflag:$0x6], $0x20, s7, s15, $0xb8;
	[tilespmem:$0x18800] =	vst v63  }
0x115: {  	_ =	swait.ge [sflag:s28], $0x2000  }
0x116: {  	[sflag:s28] =	ssyncset.done $0x0  }
0x117: {  	s10 =	simm.s32 $0x800;
	[sflag:s28] =	ssyncadd.s32 $0xFFFFE000  }
0x118: {  	[tilespmem:s17], [sflag:$0x1] =	stream.indirect.gather [hbm4b:s5+s15], $0x20, s10, s15, $0xb8;
	[tilespmem:$0x18800] =	vst v63  }
0x119: {  	_ =	swait.ge [sflag:s30], $0x2000  }
0x11a: {  	[sflag:s30] =	ssyncset.done $0x0  }
0x11b: {  	s7 =	simm.s32 $0x2E00;
	[sflag:s30] =	ssyncadd.s32 $0xFFFFE000  }
0x11c: {  	[spmem:s2] =	stream.indirect.scatter.add.bf16 [tilespmem:s20], [sflag:$0x7], $0x20, s7, s15, $0xb8;
	[tilespmem:$0x18800] =	vst v63  }
0x11d: {  	_ =	swait.ge [sflag:s0], $0x2000  }
0x11e: {  	[sflag:s0] =	ssyncset.done $0x0  }
0x11f: {  	s10 =	simm.s32 $0x900;
	[sflag:s0] =	ssyncadd.s32 $0xFFFFE000  }
0x120: {  	[tilespmem:s18], [sflag:$0x2] =	stream.indirect.gather [hbm4b:s5+s15], $0x20, s10, s15, $0xb8;
	[tilespmem:$0x18800] =	vst v63  }
0x121: {  	_ =	swait.ge [sflag:s19], $0x2000  }
0x122: {  	[sflag:s19] =	ssyncset.done $0x0  }
0x123: {  	s4 =	simm.s32 $0x1000;
	s7 =	simm.s32 $0x2F00;
	[sflag:s19] =	ssyncadd.s32 $0xFFFFE000  }
.LBB2_4:
0x124: {  	[spmem:s2] =	stream.indirect.scatter.add.bf16 [tilespmem:s23], [sflag:$0x8], $0x20, s7, s15, $0xb8;
	[tilespmem:$0x18800] =	vst v63  }
0x125: {  	s7 =	smov.u32 s4  }
0x126: {  	p0 =	sne.s32 s4, $0x7000;
	s4 =	sadd.s32 $0x1000, s4;
	_ =	swait.ge [sflag:s9], $0x2000  }
0x127: {  	s7 =	sshra.s32 s7, $0x2;
	[sflag:s9] =	ssyncset.done $0x0  }
0x128: {  	s10 =	sadd.s32 $0x600, s7;
	[sflag:s9] =	ssyncadd.s32 $0xFFFFE000  }
0x129: {  	[tilespmem:s20], [sflag:$0x3] =	stream.indirect.gather [hbm4b:s5+s15], $0x20, s10, s15, $0xb8;
	[tilespmem:$0x18800] =	vst v63  }
0x12a: {  	_ =	swait.ge [sflag:s21], $0x2000  }
0x12b: {  	[sflag:s21] =	ssyncset.done $0x0  }
0x12c: {  	s10 =	sadd.s32 $0x2C00, s7;
	[sflag:s21] =	ssyncadd.s32 $0xFFFFE000  }
0x12d: {  	[spmem:s2] =	stream.indirect.scatter.add.bf16 [tilespmem:s17], [sflag:$0x5], $0x20, s10, s15, $0xb8;
	[tilespmem:$0x18800] =	vst v63  }
0x12e: {  	_ =	swait.ge [sflag:s11], $0x2000  }
0x12f: {  	[sflag:s11] =	ssyncset.done $0x0  }
0x130: {  	s10 =	sadd.s32 $0x700, s7;
	[sflag:s11] =	ssyncadd.s32 $0xFFFFE000  }
0x131: {  	[tilespmem:s23], [sflag:$0x4] =	stream.indirect.gather [hbm4b:s5+s15], $0x20, s10, s15, $0xb8;
	[tilespmem:$0x18800] =	vst v63  }
0x132: {  	_ =	swait.ge [sflag:s24], $0x2000  }
0x133: {  	[sflag:s24] =	ssyncset.done $0x0  }
0x134: {  	s10 =	sadd.s32 $0x2D00, s7;
	[sflag:s24] =	ssyncadd.s32 $0xFFFFE000  }
0x135: {  	[spmem:s2] =	stream.indirect.scatter.add.bf16 [tilespmem:s18], [sflag:$0x6], $0x20, s10, s15, $0xb8;
	[tilespmem:$0x18800] =	vst v63  }
0x136: {  	_ =	swait.ge [sflag:s28], $0x2000  }
0x137: {  	[sflag:s28] =	ssyncset.done $0x0  }
0x138: {  	s10 =	sadd.s32 $0x800, s7;
	[sflag:s28] =	ssyncadd.s32 $0xFFFFE000  }
0x139: {  	[tilespmem:s17], [sflag:$0x1] =	stream.indirect.gather [hbm4b:s5+s15], $0x20, s10, s15, $0xb8;
	[tilespmem:$0x18800] =	vst v63  }
0x13a: {  	_ =	swait.ge [sflag:s30], $0x2000  }
0x13b: {  	[sflag:s30] =	ssyncset.done $0x0  }
0x13c: {  	s10 =	sadd.s32 $0x2E00, s7;
	[sflag:s30] =	ssyncadd.s32 $0xFFFFE000  }
0x13d: {  	[spmem:s2] =	stream.indirect.scatter.add.bf16 [tilespmem:s20], [sflag:$0x7], $0x20, s10, s15, $0xb8;
	[tilespmem:$0x18800] =	vst v63  }
0x13e: {  	_ =	swait.ge [sflag:s0], $0x2000  }
0x13f: {  	[sflag:s0] =	ssyncset.done $0x0  }
.Ltmp1:
0x140: {  	s10 =	sadd.s32 $0x900, s7;
	[sflag:s0] =	ssyncadd.s32 $0xFFFFE000;
	(pc) =	sbr.rel @p0 .LBB2_4-.Ltmp1, $4  }
0x141: {  	[tilespmem:s18], [sflag:$0x2] =	stream.indirect.gather [hbm4b:s5+s15], $0x20, s10, s15, $0xb8;
	[tilespmem:$0x18800] =	vst v63  }
0x142: {  	_ =	swait.ge [sflag:s19], $0x2000  }
0x143: {  	[sflag:s19] =	ssyncset.done $0x0  }
0x144: {  	s7 =	sadd.s32 $0x2F00, s7;
	[sflag:s19] =	ssyncadd.s32 $0xFFFFE000  }
0x145: {  	[spmem:s2] =	stream.indirect.scatter.add.bf16 [tilespmem:s23], [sflag:$0x8], $0x20, s7, s15, $0xb8;
	[tilespmem:$0x18800] =	vst v63  }
0x146: {  	_ =	swait.ge [sflag:s9], $0x2000  }
0x147: {  	[sflag:s9] =	ssyncset.done $0x0  }
0x148: {  	s4 =	simm.s32 $0x2600;
	[sflag:s9] =	ssyncadd.s32 $0xFFFFE000  }
0x149: {  	[tilespmem:s20], [sflag:$0x3] =	stream.indirect.gather [hbm4b:s5+s15], $0x20, s4, s15, $0xb8;
	[tilespmem:$0x18800] =	vst v63  }
0x14a: {  	_ =	swait.ge [sflag:s21], $0x2000  }
0x14b: {  	[sflag:s21] =	ssyncset.done $0x0  }
0x14c: {  	s7 =	simm.s32 $0x4C00;
	[sflag:s21] =	ssyncadd.s32 $0xFFFFE000  }
0x14d: {  	[spmem:s2] =	stream.indirect.scatter.add.bf16 [tilespmem:s17], [sflag:$0x5], $0x20, s7, s15, $0xb8;
	[tilespmem:$0x18800] =	vst v63  }
0x14e: {  	_ =	swait.ge [sflag:s11], $0x2000  }
0x14f: {  	[sflag:s11] =	ssyncset.done $0x0  }
0x150: {  	s10 =	simm.s32 $0x2700;
	[sflag:s11] =	ssyncadd.s32 $0xFFFFE000  }
0x151: {  	[tilespmem:s23], [sflag:$0x4] =	stream.indirect.gather [hbm4b:s5+s15], $0x20, s10, s15, $0xb8;
	[tilespmem:$0x18800] =	vst v63  }
0x152: {  	_ =	swait.ge [sflag:s24], $0x2000  }
0x153: {  	[sflag:s24] =	ssyncset.done $0x0  }
0x154: {  	s7 =	simm.s32 $0x4D00;
	[sflag:s24] =	ssyncadd.s32 $0xFFFFE000  }
0x155: {  	[spmem:s2] =	stream.indirect.scatter.add.bf16 [tilespmem:s18], [sflag:$0x6], $0x20, s7, s15, $0xb8;
	[tilespmem:$0x18800] =	vst v63  }
0x156: {  	_ =	swait.ge [sflag:s28], $0x2000  }
0x157: {  	[sflag:s28] =	ssyncset.done $0x0  }
0x158: {  	[sflag:s28] =	ssyncadd.s32 $0xFFFFE000  }
0x159: {  	_ =	swait.ge [sflag:s30], $0x2000  }
0x15a: {  	[sflag:s30] =	ssyncset.done $0x0  }
0x15b: {  	s10 =	simm.s32 $0x4E00;
	[sflag:s30] =	ssyncadd.s32 $0xFFFFE000  }
0x15c: {  	[spmem:s2] =	stream.indirect.scatter.add.bf16 [tilespmem:s20], [sflag:$0x7], $0x20, s10, s15, $0xb8;
	[tilespmem:$0x18800] =	vst v63  }
0x15d: {  	_ =	swait.ge [sflag:s0], $0x2000  }
0x15e: {  	[sflag:s0] =	ssyncset.done $0x0  }
0x15f: {  	[sflag:s0] =	ssyncadd.s32 $0xFFFFE000  }
0x160: {  	_ =	swait.ge [sflag:s19], $0x2000  }
0x161: {  	[sflag:s19] =	ssyncset.done $0x0  }
0x162: {  	s7 =	simm.s32 $0x4F00;
	[sflag:s19] =	ssyncadd.s32 $0xFFFFE000  }
0x163: {  	[spmem:s2] =	stream.indirect.scatter.add.bf16 [tilespmem:s23], [sflag:$0x8], $0x20, s7, s15, $0xb8;
	[tilespmem:$0x18800] =	vst v63  }
0x164: {  	_ =	swait.ge [sflag:s9], $0x2000  }
0x165: {  	[sflag:s9] =	ssyncset.done $0x0  }
0x166: {  	[sflag:s9] =	ssyncadd.s32 $0xFFFFE000  }
0x167: {  	_ =	swait.ge [sflag:s11], $0x2000  }
0x168: {  	[sflag:s11] =	ssyncset.done $0x0  }
0x169: {  	[sflag:s11] =	ssyncadd.s32 $0xFFFFE000  }
0x16a: {  	[bflag:$0x0] =	sbarrier.arrive $0xFFFF  }
0x16b: {  	s10 =	rddreg [dreg:$0xc]  }
0x16c: {  	[hbm:s10], [sflag:s31] =	dma.local [spmem:s1], $0xA00  }
0x16d: {  	_ =	swait.ge [sflag:s13], $0xA00  }
0x16e: {  	[sflag:s13] =	ssyncset.done $0x0  }
0x16f: {  	[sflag:s13] =	ssyncadd.s32 $0xFFFFF600  }
0x170: {  	[bflag:$0x0] =	sbarrier.arrive $0xFFFF  }
0x171: {  	s4 =	simm.s32 $0x0;
	s7 =	rddreg [dreg:$0xd]  }
0x172: {  	[tilespmem:s4], [sflag:$0x9] =	stream.linear.gather [hbm4b:s7+s4], $0x2800, $0x38;
	[tilespmem:$0x18800] =	vst v63  }
0x173: {  	_ =	swait.ge [sflag:s13], $0x2800  }
0x174: {  	[sflag:s13] =	ssyncset.done $0x0  }
0x175: {  	s10 =	rddreg [dreg:$0x6];
	[sflag:s13] =	ssyncadd.s32 $0xFFFFD800  }
0x176: {  	[spmem:s25], [sflag:s31] =	dma.local [hbm:s10], $0x500  }
0x177: {  	_ =	swait.ge [sflag:s13], $0x500  }
0x178: {  	[sflag:s13] =	ssyncset.done $0x0  }
0x179: {  	[sflag:s13] =	ssyncadd.s32 $0xFFFFFB00  }
0x17a: {  	[bflag:$0x0] =	sbarrier.arrive $0xFFFF  }
0x17b: {  	[tilespmem:s8], [sflag:$0x1] =	stream.indirect.gather [hbm4b:s6+s15], $0x10, s16, s15, $0xb8;
	[tilespmem:$0x18800] =	vst v63  }
0x17c: {  	s7 =	rddreg [dreg:$0xe]  }
0x17d: {  	[tilespmem:s22], [sflag:$0x2] =	stream.indirect.gather [hbm4b:s6+s15], $0x10, s7, s15, $0xb8;
	[tilespmem:$0x18800] =	vst v63  }
0x17e: {  	s10 =	rddreg [dreg:$0x12]  }
0x17f: {  	[tilespmem:s12], [sflag:$0x3] =	stream.indirect.gather [hbm4b:s6+s15], $0x10, s10, s15, $0xb8;
	[tilespmem:$0x18800] =	vst v63  }
0x180: {  	_ =	swait.ge [sflag:s21], $0x1000  }
0x181: {  	[sflag:s21] =	ssyncset.done $0x0  }
0x182: {  	s7 =	rddreg [dreg:$0xf];
	[sflag:s21] =	ssyncadd.s32 $0xFFFFF000  }
0x183: {  	[spmem:s3] =	stream.indirect.scatter.add.f32 [tilespmem:s8], [sflag:$0x5], $0x10, s7, s15, $0xb8;
	[tilespmem:$0x18800] =	vst v63  }
0x184: {  	s10 =	rddreg [dreg:$0x13]  }
0x185: {  	[tilespmem:s26], [sflag:$0x4] =	stream.indirect.gather [hbm4b:s6+s15], $0x10, s10, s15, $0xb8;
	[tilespmem:$0x18800] =	vst v63  }
0x186: {  	_ =	swait.ge [sflag:s24], $0x1000  }
0x187: {  	[sflag:s24] =	ssyncset.done $0x0  }
0x188: {  	s7 =	rddreg [dreg:$0x14];
	[sflag:s24] =	ssyncadd.s32 $0xFFFFF000  }
0x189: {  	[spmem:s3] =	stream.indirect.scatter.add.f32 [tilespmem:s22], [sflag:$0x6], $0x10, s7, s15, $0xb8;
	[tilespmem:$0x18800] =	vst v63  }
0x18a: {  	_ =	swait.ge [sflag:s28], $0x1000  }
0x18b: {  	[sflag:s28] =	ssyncset.done $0x0  }
0x18c: {  	s10 =	rddreg [dreg:$0x15];
	[sflag:s28] =	ssyncadd.s32 $0xFFFFF000  }
0x18d: {  	[tilespmem:s8], [sflag:$0x1] =	stream.indirect.gather [hbm4b:s6+s15], $0x10, s10, s15, $0xb8;
	[tilespmem:$0x18800] =	vst v63  }
0x18e: {  	_ =	swait.ge [sflag:s30], $0x1000  }
0x18f: {  	[sflag:s30] =	ssyncset.done $0x0  }
0x190: {  	s7 =	rddreg [dreg:$0x16];
	[sflag:s30] =	ssyncadd.s32 $0xFFFFF000  }
0x191: {  	[spmem:s3] =	stream.indirect.scatter.add.f32 [tilespmem:s12], [sflag:$0x7], $0x10, s7, s15, $0xb8;
	[tilespmem:$0x18800] =	vst v63  }
0x192: {  	_ =	swait.ge [sflag:s0], $0x1000  }
0x193: {  	[sflag:s0] =	ssyncset.done $0x0  }
0x194: {  	s10 =	rddreg [dreg:$0x17];
	[sflag:s0] =	ssyncadd.s32 $0xFFFFF000  }
0x195: {  	[tilespmem:s22], [sflag:$0x2] =	stream.indirect.gather [hbm4b:s6+s15], $0x10, s10, s15, $0xb8;
	[tilespmem:$0x18800] =	vst v63  }
0x196: {  	_ =	swait.ge [sflag:s19], $0x1000  }
0x197: {  	[sflag:s19] =	ssyncset.done $0x0  }
0x198: {  	s7 =	rddreg [dreg:$0x18];
	[sflag:s19] =	ssyncadd.s32 $0xFFFFF000  }
0x199: {  	[spmem:s3] =	stream.indirect.scatter.add.f32 [tilespmem:s26], [sflag:$0x8], $0x10, s7, s15, $0xb8;
	[tilespmem:$0x18800] =	vst v63  }
0x19a: {  	_ =	swait.ge [sflag:s9], $0x1000  }
0x19b: {  	[sflag:s9] =	ssyncset.done $0x0  }
0x19c: {  	s10 =	rddreg [dreg:$0x19];
	[sflag:s9] =	ssyncadd.s32 $0xFFFFF000  }
0x19d: {  	[tilespmem:s12], [sflag:$0x3] =	stream.indirect.gather [hbm4b:s6+s15], $0x10, s10, s15, $0xb8;
	[tilespmem:$0x18800] =	vst v63  }
0x19e: {  	_ =	swait.ge [sflag:s21], $0x1000  }
0x19f: {  	[sflag:s21] =	ssyncset.done $0x0  }
0x1a0: {  	s7 =	rddreg [dreg:$0x1a];
	[sflag:s21] =	ssyncadd.s32 $0xFFFFF000  }
0x1a1: {  	[spmem:s3] =	stream.indirect.scatter.add.f32 [tilespmem:s8], [sflag:$0x5], $0x10, s7, s15, $0xb8;
	[tilespmem:$0x18800] =	vst v63  }
0x1a2: {  	_ =	swait.ge [sflag:s11], $0x1000  }
0x1a3: {  	[sflag:s11] =	ssyncset.done $0x0  }
0x1a4: {  	s10 =	rddreg [dreg:$0x1b];
	[sflag:s11] =	ssyncadd.s32 $0xFFFFF000  }
0x1a5: {  	[tilespmem:s26], [sflag:$0x4] =	stream.indirect.gather [hbm4b:s6+s15], $0x10, s10, s15, $0xb8;
	[tilespmem:$0x18800] =	vst v63  }
0x1a6: {  	_ =	swait.ge [sflag:s24], $0x1000  }
0x1a7: {  	[sflag:s24] =	ssyncset.done $0x0  }
0x1a8: {  	s7 =	rddreg [dreg:$0x1c];
	[sflag:s24] =	ssyncadd.s32 $0xFFFFF000  }
0x1a9: {  	[spmem:s3] =	stream.indirect.scatter.add.f32 [tilespmem:s22], [sflag:$0x6], $0x10, s7, s15, $0xb8;
	[tilespmem:$0x18800] =	vst v63  }
0x1aa: {  	_ =	swait.ge [sflag:s28], $0x1000  }
0x1ab: {  	[sflag:s28] =	ssyncset.done $0x0  }
0x1ac: {  	s10 =	rddreg [dreg:$0x1d];
	[sflag:s28] =	ssyncadd.s32 $0xFFFFF000  }
0x1ad: {  	[tilespmem:s8], [sflag:$0x1] =	stream.indirect.gather [hbm4b:s6+s15], $0x10, s10, s15, $0xb8;
	[tilespmem:$0x18800] =	vst v63  }
0x1ae: {  	_ =	swait.ge [sflag:s30], $0x1000  }
0x1af: {  	[sflag:s30] =	ssyncset.done $0x0  }
0x1b0: {  	s7 =	rddreg [dreg:$0x1e];
	[sflag:s30] =	ssyncadd.s32 $0xFFFFF000  }
0x1b1: {  	[spmem:s3] =	stream.indirect.scatter.add.f32 [tilespmem:s12], [sflag:$0x7], $0x10, s7, s15, $0xb8;
	[tilespmem:$0x18800] =	vst v63  }
0x1b2: {  	_ =	swait.ge [sflag:s0], $0x1000  }
0x1b3: {  	[sflag:s0] =	ssyncset.done $0x0  }
0x1b4: {  	s10 =	rddreg [dreg:$0x1f];
	[sflag:s0] =	ssyncadd.s32 $0xFFFFF000  }
0x1b5: {  	[tilespmem:s22], [sflag:$0x2] =	stream.indirect.gather [hbm4b:s6+s15], $0x10, s10, s15, $0xb8;
	[tilespmem:$0x18800] =	vst v63  }
0x1b6: {  	_ =	swait.ge [sflag:s19], $0x1000  }
0x1b7: {  	s7 =	sld [smem:$0x7E7]  }
0x1b8: {  	[sflag:s19] =	ssyncset.done $0x0  }
0x1b9: {  	[sflag:s19] =	ssyncadd.s32 $0xFFFFF000  }
0x1ba: {  	[spmem:s3] =	stream.indirect.scatter.add.f32 [tilespmem:s26], [sflag:$0x8], $0x10, s7, s15, $0xb8;
	[tilespmem:$0x18800] =	vst v63  }
0x1bb: {  	_ =	swait.ge [sflag:s9], $0x1000  }
0x1bc: {  	s10 =	sld [smem:$0x7E8]  }
0x1bd: {  	[sflag:s9] =	ssyncset.done $0x0  }
0x1be: {  	[sflag:s9] =	ssyncadd.s32 $0xFFFFF000  }
0x1bf: {  	[tilespmem:s12], [sflag:$0x3] =	stream.indirect.gather [hbm4b:s6+s15], $0x10, s10, s15, $0xb8;
	[tilespmem:$0x18800] =	vst v63  }
0x1c0: {  	_ =	swait.ge [sflag:s21], $0x1000  }
0x1c1: {  	s7 =	sld [smem:$0x7E9]  }
0x1c2: {  	[sflag:s21] =	ssyncset.done $0x0  }
0x1c3: {  	[sflag:s21] =	ssyncadd.s32 $0xFFFFF000  }
0x1c4: {  	[spmem:s3] =	stream.indirect.scatter.add.f32 [tilespmem:s8], [sflag:$0x5], $0x10, s7, s15, $0xb8;
	[tilespmem:$0x18800] =	vst v63  }
0x1c5: {  	_ =	swait.ge [sflag:s11], $0x1000  }
0x1c6: {  	s10 =	sld [smem:$0x7EA]  }
0x1c7: {  	[sflag:s11] =	ssyncset.done $0x0  }
0x1c8: {  	[sflag:s11] =	ssyncadd.s32 $0xFFFFF000  }
0x1c9: {  	[tilespmem:s26], [sflag:$0x4] =	stream.indirect.gather [hbm4b:s6+s15], $0x10, s10, s15, $0xb8;
	[tilespmem:$0x18800] =	vst v63  }
0x1ca: {  	_ =	swait.ge [sflag:s24], $0x1000  }
0x1cb: {  	s7 =	sld [smem:$0x7EB]  }
0x1cc: {  	[sflag:s24] =	ssyncset.done $0x0  }
0x1cd: {  	[sflag:s24] =	ssyncadd.s32 $0xFFFFF000  }
0x1ce: {  	[spmem:s3] =	stream.indirect.scatter.add.f32 [tilespmem:s22], [sflag:$0x6], $0x10, s7, s15, $0xb8;
	[tilespmem:$0x18800] =	vst v63  }
0x1cf: {  	_ =	swait.ge [sflag:s28], $0x1000  }
0x1d0: {  	s10 =	sld [smem:$0x7EC]  }
0x1d1: {  	[sflag:s28] =	ssyncset.done $0x0  }
0x1d2: {  	[sflag:s28] =	ssyncadd.s32 $0xFFFFF000  }
0x1d3: {  	[tilespmem:s8], [sflag:$0x1] =	stream.indirect.gather [hbm4b:s6+s15], $0x10, s10, s15, $0xb8;
	[tilespmem:$0x18800] =	vst v63  }
0x1d4: {  	_ =	swait.ge [sflag:s30], $0x1000  }
0x1d5: {  	s7 =	sld [smem:$0x7ED]  }
0x1d6: {  	[sflag:s30] =	ssyncset.done $0x0  }
0x1d7: {  	[sflag:s30] =	ssyncadd.s32 $0xFFFFF000  }
0x1d8: {  	[spmem:s3] =	stream.indirect.scatter.add.f32 [tilespmem:s12], [sflag:$0x7], $0x10, s7, s15, $0xb8;
	[tilespmem:$0x18800] =	vst v63  }
0x1d9: {  	_ =	swait.ge [sflag:s0], $0x1000  }
0x1da: {  	s10 =	sld [smem:$0x7EE]  }
0x1db: {  	[sflag:s0] =	ssyncset.done $0x0  }
0x1dc: {  	[sflag:s0] =	ssyncadd.s32 $0xFFFFF000  }
0x1dd: {  	[tilespmem:s22], [sflag:$0x2] =	stream.indirect.gather [hbm4b:s6+s15], $0x10, s10, s15, $0xb8;
	[tilespmem:$0x18800] =	vst v63  }
0x1de: {  	_ =	swait.ge [sflag:s19], $0x1000  }
0x1df: {  	s7 =	sld [smem:$0x7EF]  }
0x1e0: {  	[sflag:s19] =	ssyncset.done $0x0  }
0x1e1: {  	[sflag:s19] =	ssyncadd.s32 $0xFFFFF000  }
0x1e2: {  	[spmem:s3] =	stream.indirect.scatter.add.f32 [tilespmem:s26], [sflag:$0x8], $0x10, s7, s15, $0xb8;
	[tilespmem:$0x18800] =	vst v63  }
0x1e3: {  	_ =	swait.ge [sflag:s9], $0x1000  }
0x1e4: {  	s10 =	sld [smem:$0x7F0]  }
0x1e5: {  	[sflag:s9] =	ssyncset.done $0x0  }
0x1e6: {  	[sflag:s9] =	ssyncadd.s32 $0xFFFFF000  }
0x1e7: {  	[tilespmem:s12], [sflag:$0x3] =	stream.indirect.gather [hbm4b:s6+s15], $0x10, s10, s15, $0xb8;
	[tilespmem:$0x18800] =	vst v63  }
0x1e8: {  	_ =	swait.ge [sflag:s21], $0x1000  }
0x1e9: {  	s7 =	sld [smem:$0x7F1]  }
0x1ea: {  	[sflag:s21] =	ssyncset.done $0x0  }
0x1eb: {  	[sflag:s21] =	ssyncadd.s32 $0xFFFFF000  }
0x1ec: {  	[spmem:s3] =	stream.indirect.scatter.add.f32 [tilespmem:s8], [sflag:$0x5], $0x10, s7, s15, $0xb8;
	[tilespmem:$0x18800] =	vst v63  }
0x1ed: {  	_ =	swait.ge [sflag:s11], $0x1000  }
0x1ee: {  	s10 =	sld [smem:$0x7F2]  }
0x1ef: {  	[sflag:s11] =	ssyncset.done $0x0  }
0x1f0: {  	[sflag:s11] =	ssyncadd.s32 $0xFFFFF000  }
0x1f1: {  	[tilespmem:s26], [sflag:$0x4] =	stream.indirect.gather [hbm4b:s6+s15], $0x10, s10, s15, $0xb8;
	[tilespmem:$0x18800] =	vst v63  }
0x1f2: {  	_ =	swait.ge [sflag:s24], $0x1000  }
0x1f3: {  	s7 =	sld [smem:$0x7F3]  }
0x1f4: {  	[sflag:s24] =	ssyncset.done $0x0  }
0x1f5: {  	[sflag:s24] =	ssyncadd.s32 $0xFFFFF000  }
0x1f6: {  	[spmem:s3] =	stream.indirect.scatter.add.f32 [tilespmem:s22], [sflag:$0x6], $0x10, s7, s15, $0xb8;
	[tilespmem:$0x18800] =	vst v63  }
0x1f7: {  	_ =	swait.ge [sflag:s28], $0x1000  }
0x1f8: {  	s10 =	sld [smem:$0x7F4]  }
0x1f9: {  	[sflag:s28] =	ssyncset.done $0x0  }
0x1fa: {  	[sflag:s28] =	ssyncadd.s32 $0xFFFFF000  }
0x1fb: {  	[tilespmem:s8], [sflag:$0x1] =	stream.indirect.gather [hbm4b:s6+s15], $0x10, s10, s15, $0xb8;
	[tilespmem:$0x18800] =	vst v63  }
0x1fc: {  	_ =	swait.ge [sflag:s30], $0x1000  }
0x1fd: {  	s7 =	sld [smem:$0x7F5]  }
0x1fe: {  	[sflag:s30] =	ssyncset.done $0x0  }
0x1ff: {  	[sflag:s30] =	ssyncadd.s32 $0xFFFFF000  }
0x200: {  	[spmem:s3] =	stream.indirect.scatter.add.f32 [tilespmem:s12], [sflag:$0x7], $0x10, s7, s15, $0xb8;
	[tilespmem:$0x18800] =	vst v63  }
0x201: {  	_ =	swait.ge [sflag:s0], $0x1000  }
0x202: {  	s10 =	sld [smem:$0x7F6]  }
0x203: {  	[sflag:s0] =	ssyncset.done $0x0  }
0x204: {  	[sflag:s0] =	ssyncadd.s32 $0xFFFFF000  }
0x205: {  	[tilespmem:s22], [sflag:$0x2] =	stream.indirect.gather [hbm4b:s6+s15], $0x10, s10, s15, $0xb8;
	[tilespmem:$0x18800] =	vst v63  }
0x206: {  	_ =	swait.ge [sflag:s19], $0x1000  }
0x207: {  	s7 =	sld [smem:$0x7F7]  }
0x208: {  	[sflag:s19] =	ssyncset.done $0x0  }
0x209: {  	[sflag:s19] =	ssyncadd.s32 $0xFFFFF000  }
0x20a: {  	[spmem:s3] =	stream.indirect.scatter.add.f32 [tilespmem:s26], [sflag:$0x8], $0x10, s7, s15, $0xb8;
	[tilespmem:$0x18800] =	vst v63  }
0x20b: {  	_ =	swait.ge [sflag:s9], $0x1000  }
0x20c: {  	s10 =	sld [smem:$0x7F8]  }
0x20d: {  	[sflag:s9] =	ssyncset.done $0x0  }
0x20e: {  	[sflag:s9] =	ssyncadd.s32 $0xFFFFF000  }
0x20f: {  	[tilespmem:s12], [sflag:$0x3] =	stream.indirect.gather [hbm4b:s6+s15], $0x10, s10, s15, $0xb8;
	[tilespmem:$0x18800] =	vst v63  }
0x210: {  	_ =	swait.ge [sflag:s21], $0x1000  }
0x211: {  	s7 =	sld [smem:$0x7F9]  }
0x212: {  	[sflag:s21] =	ssyncset.done $0x0  }
0x213: {  	[sflag:s21] =	ssyncadd.s32 $0xFFFFF000  }
0x214: {  	[spmem:s3] =	stream.indirect.scatter.add.f32 [tilespmem:s8], [sflag:$0x5], $0x10, s7, s15, $0xb8;
	[tilespmem:$0x18800] =	vst v63  }
0x215: {  	_ =	swait.ge [sflag:s11], $0x1000  }
0x216: {  	s10 =	sld [smem:$0x7FA]  }
0x217: {  	[sflag:s11] =	ssyncset.done $0x0  }
0x218: {  	[sflag:s11] =	ssyncadd.s32 $0xFFFFF000  }
0x219: {  	[tilespmem:s26], [sflag:$0x4] =	stream.indirect.gather [hbm4b:s6+s15], $0x10, s10, s15, $0xb8;
	[tilespmem:$0x18800] =	vst v63  }
0x21a: {  	_ =	swait.ge [sflag:s24], $0x1000  }
0x21b: {  	s7 =	sld [smem:$0x7FB]  }
0x21c: {  	[sflag:s24] =	ssyncset.done $0x0  }
0x21d: {  	[sflag:s24] =	ssyncadd.s32 $0xFFFFF000  }
0x21e: {  	[spmem:s3] =	stream.indirect.scatter.add.f32 [tilespmem:s22], [sflag:$0x6], $0x10, s7, s15, $0xb8;
	[tilespmem:$0x18800] =	vst v63  }
0x21f: {  	_ =	swait.ge [sflag:s28], $0x1000  }
0x220: {  	[sflag:s28] =	ssyncset.done $0x0  }
0x221: {  	[sflag:s28] =	ssyncadd.s32 $0xFFFFF000  }
0x222: {  	_ =	swait.ge [sflag:s30], $0x1000  }
0x223: {  	s10 =	sld [smem:$0x7FC]  }
0x224: {  	[sflag:s30] =	ssyncset.done $0x0  }
0x225: {  	[sflag:s30] =	ssyncadd.s32 $0xFFFFF000  }
0x226: {  	[spmem:s3] =	stream.indirect.scatter.add.f32 [tilespmem:s12], [sflag:$0x7], $0x10, s10, s15, $0xb8;
	[tilespmem:$0x18800] =	vst v63  }
0x227: {  	_ =	swait.ge [sflag:s0], $0x1000  }
0x228: {  	[sflag:s0] =	ssyncset.done $0x0  }
0x229: {  	[sflag:s0] =	ssyncadd.s32 $0xFFFFF000  }
0x22a: {  	_ =	swait.ge [sflag:s19], $0x1000  }
0x22b: {  	s7 =	sld [smem:$0x7FD]  }
0x22c: {  	[sflag:s19] =	ssyncset.done $0x0  }
0x22d: {  	[sflag:s19] =	ssyncadd.s32 $0xFFFFF000  }
0x22e: {  	[spmem:s3] =	stream.indirect.scatter.add.f32 [tilespmem:s26], [sflag:$0x8], $0x10, s7, s15, $0xb8;
	[tilespmem:$0x18800] =	vst v63  }
0x22f: {  	_ =	swait.ge [sflag:s9], $0x1000  }
0x230: {  	[sflag:s9] =	ssyncset.done $0x0  }
0x231: {  	[sflag:s9] =	ssyncadd.s32 $0xFFFFF000  }
0x232: {  	_ =	swait.ge [sflag:s11], $0x1000  }
0x233: {  	[sflag:s11] =	ssyncset.done $0x0  }
0x234: {  	[sflag:s11] =	ssyncadd.s32 $0xFFFFF000  }
0x235: {  	[bflag:$0x0] =	sbarrier.arrive $0xFFFF  }
0x236: {  	s10 =	rddreg [dreg:$0x10]  }
0x237: {  	[hbm:s10], [sflag:s31] =	dma.local [spmem:s25], $0x500  }
0x238: {  	_ =	swait.ge [sflag:s13], $0x500  }
0x239: {  	s29 =	sadd.s32 $0x1, s29;
	s31 =	rddreg [dreg:$0x11]  }
0x23a: {  	p0 =	sne.s32 s29, s31  }
.Ltmp2:
0x23b: {  	_ = 	snop;
	(pc) =	sbr.rel @p0 .LBB2_1-.Ltmp2, $3  }
0x23c: {  	_ =	sdelay $0x1  }
0x23d: {  	[sflag:s13] =	ssyncset.done $0x0  }
0x23e: {  	[sflag:s13] =	ssyncadd.s32 $0xFFFFFB00  }
0x23f: {  	_ =	sfence.sel $0x180000  }
0x240: {  	[bflag:$0x0] =	sbarrier.arrive $0xFFFF  }
0x241: {  	_ =	strace $0x90000047  }
0x242: {  	s0 =	stileid.u32;
	[bflag:$0x2] =	sbarrier.arrive $0xFFFF  }
0x243: {  	p0 =	sne.s32 s0, $0x0;
	s0 =	rddreg [dreg:$0x4]  }
0x244: {  	s0 =	sadd.s32 @!p0 $0x100000, s0  }
0x245: {  	[sflag:s0] =	ssyncadd.tile.s32 @!p0 $0x1;
	_ =	shalt  }
.Lfunc_end2:
_tile_overlayer_lowered:
.L_overlay_start_2:
0x246: {  	(tag) =	ssettag $0x2  }
0x247: {  	s0 =	rddreg [dreg:$0x0];
	s2 =	stileid.u32  }
0x248: {  	s1 =	rddreg [dreg:$0x1];
	p0 =	sne.s32 s2, $0x0  }
0x249: {  	s3 =	rddreg [dreg:$0x2];
	[bflag:$0x3] =	sbarrier.arrive $0xFFFF;
	s2 =	simm.s32 @!p0 $0x1C09  }
0x24a: {  	[timem:s3], [sflag:s2] =	dma.local @!p0 [hbm:s0], s1  }
0x24b: {  	s0 =	simm.s32 @!p0 $0x9  }
0x24c: {  	_ =	swait.ge @!p0 [sflag:s0], s1  }
0x24d: {  	s1 =	ssub.s32 @!p0 $0x0, s1;
	[sflag:s0] =	ssyncset.done @!p0 $0x0  }
0x24e: {  	[sflag:s0] =	ssyncadd.s32 @!p0 s1  }
0x24f: {  	[bflag:$0x3] =	sbarrier.arrive $0xFFFF  }
0x250: {  	_ =	shalt  }

</sc_bundles>
